<compile_context>
chip_gen: v7x
topology: tpu7x:2x2x1
jax: 0.10.2.dev20260603
libtpu: 0.0.44.dev20260713+nightly
codegen_flags: <defaults>
</compile_context>

<pallas_src>
import functools

import jax
import jax.numpy as jnp
from jax import lax
from jax.experimental import pallas as pl
from jax.experimental.pallas import tpu as pltpu
from jax.experimental.pallas import tpu_sc as plsc

N = 10000
E = 320000
D = 128
NC = 2
NS = 16
NW = NC * NS
EPW = E // NW
K = 80
NCH = EPW // K
NP = 10240
KD = 128
NCHD = 79
RPT = NP // NS
DW = D

_mesh = plsc.VectorSubcoreMesh(core_axis_name="c", subcore_axis_name="s",
                               num_cores=NC, num_subcores=NS)


@functools.partial(
    pl.kernel,
    out_type=jax.ShapeDtypeStruct((NC, NP, DW), jnp.float32),
    mesh=_mesh,
    scratch_types=[
        pltpu.VMEM((NCHD, KD), jnp.int32),
        pltpu.VMEM((KD, DW), jnp.float32),
        pltpu.VMEM_SHARED((NP, DW), jnp.float32),
    ],
)
def _deg_kernel(col_hbm, ones_hbm, zeros_hbm, degp_hbm, colv, onesv, acc):
    c = lax.axis_index("c")
    s = lax.axis_index("s")
    wid = s * NC + c
    base = s * RPT
    pltpu.sync_copy(col_hbm.at[wid], colv)
    pltpu.sync_copy(ones_hbm, onesv)
    pltpu.sync_copy(zeros_hbm.at[pl.ds(base, RPT)], acc.at[pl.ds(base, RPT)])
    plsc.subcore_barrier()

    def body(j, carry):
        pltpu.sync_copy(onesv, acc.at[colv.at[j]], add=True)
        return carry

    lax.fori_loop(0, NCHD, body, 0)
    plsc.subcore_barrier()
    pltpu.sync_copy(acc.at[pl.ds(base, RPT)], degp_hbm.at[c, pl.ds(base, RPT)])


PK_SHIFT = 14


@functools.partial(
    pl.kernel,
    out_type=jax.ShapeDtypeStruct((NC, NP, D), jnp.float32),
    mesh=_mesh,
    scratch_types=[
        pltpu.VMEM((NCH, K), jnp.int32),
        pltpu.VMEM((2, K), jnp.int32),
        pltpu.VMEM((2, K), jnp.int32),
        pltpu.VMEM((K, D), jnp.float32),
        pltpu.VMEM((K, D), jnp.float32),
        pltpu.VMEM_SHARED((NP, D), jnp.float32),
        pltpu.SemaphoreType.DMA,
        pltpu.SemaphoreType.DMA,
    ],
)
def _msg_kernel(pk_hbm, h1_hbm, zeros_hbm, msgp_hbm,
                pkv, colb, rowb, buf0, buf1, acc, sem0, sem1):
    c = lax.axis_index("c")
    s = lax.axis_index("s")
    wid = s * NC + c
    base = s * RPT
    pltpu.sync_copy(pk_hbm.at[wid], pkv)
    pltpu.sync_copy(zeros_hbm.at[pl.ds(base, RPT)], acc.at[pl.ds(base, RPT)])

    def unpack(j, slot):
        for v in range(K // 16):
            pk = pkv[j, pl.ds(v * 16, 16)]
            colb[slot, pl.ds(v * 16, 16)] = jnp.bitwise_and(pk, (1 << PK_SHIFT) - 1)
            rowb[slot, pl.ds(v * 16, 16)] = jnp.right_shift(pk, PK_SHIFT)

    unpack(0, 0)
    unpack(1, 1)
    plsc.subcore_barrier()

    pltpu.async_copy(h1_hbm.at[colb.at[0]], buf0, sem0)

    def body(jo, carry):
        j0 = 2 * jo
        pltpu.async_copy(h1_hbm.at[colb.at[1]], buf1, sem1)
        pltpu.make_async_copy(h1_hbm.at[colb.at[0]], buf0, sem0).wait()
        pltpu.sync_copy(buf0, acc.at[rowb.at[0]], add=True)
        unpack(jnp.minimum(j0 + 2, NCH - 1), 0)
        pltpu.async_copy(h1_hbm.at[colb.at[0]], buf0, sem0)
        pltpu.make_async_copy(h1_hbm.at[colb.at[1]], buf1, sem1).wait()
        pltpu.sync_copy(buf1, acc.at[rowb.at[1]], add=True)
        unpack(jnp.minimum(j0 + 3, NCH - 1), 1)
        return carry

    lax.fori_loop(0, (NCH - 1) // 2, body, 0)
    pltpu.make_async_copy(h1_hbm.at[colb.at[0]], buf0, sem0).wait()
    pltpu.sync_copy(buf0, acc.at[rowb.at[0]], add=True)
    plsc.subcore_barrier()
    pltpu.sync_copy(acc.at[pl.ds(base, RPT)], msgp_hbm.at[c, pl.ds(base, RPT)])


BN = 1000


def _mm_body(x_ref, w_ref, b_ref, h_ref):
    h = lax.dot_general(x_ref[...], w_ref[...], (((1,), (1,)), ((), ())),
                        preferred_element_type=jnp.float32)
    h_ref[...] = h + b_ref[...]


def _h1_body(h_ref, degp_ref, h1_ref):
    dinv = lax.rsqrt(degp_ref[0] + degp_ref[1] + 1.0)
    h1_ref[...] = h_ref[...] * dinv


def _out_body(msgp_ref, h1_ref, degp_ref, o_ref):
    dinv = lax.rsqrt(degp_ref[0] + degp_ref[1] + 1.0)
    o_ref[...] = (msgp_ref[0] + msgp_ref[1] + h1_ref[...]) * dinv


def kernel(edge_index, X, W, b):
    colw = edge_index[1].reshape(NW, EPW)
    pad = N + jnp.broadcast_to(
        jnp.arange(NCHD * KD - EPW, dtype=jnp.int32) % (NP - N), (NW, 112))
    col3 = jnp.concatenate([colw, pad], axis=1).reshape(NW, NCHD, KD)
    pk3 = (jnp.left_shift(edge_index[0], PK_SHIFT) | edge_index[1]).reshape(
        NW, NCH, K)
    ones = jnp.ones((KD, DW), jnp.float32)
    zm = jnp.zeros((NP, D), jnp.float32)
    zd = zm
    b2 = b.reshape(1, D)

    h = pl.pallas_call(
        _mm_body,
        grid=(N // BN,),
        in_specs=[
            pl.BlockSpec((BN, D), lambda i: (i, 0)),
            pl.BlockSpec((D, D), lambda i: (0, 0)),
            pl.BlockSpec((1, D), lambda i: (0, 0)),
        ],
        out_specs=pl.BlockSpec((BN, D), lambda i: (i, 0)),
        out_shape=jax.ShapeDtypeStruct((N, D), jnp.float32),
    )(X, W, b2)

    degp = _deg_kernel(col3, ones, zd)

    h1 = pl.pallas_call(
        _h1_body,
        grid=(N // BN,),
        in_specs=[
            pl.BlockSpec((BN, D), lambda i: (i, 0)),
            pl.BlockSpec((NC, BN, DW), lambda i: (0, i, 0)),
        ],
        out_specs=pl.BlockSpec((BN, D), lambda i: (i, 0)),
        out_shape=jax.ShapeDtypeStruct((N, D), jnp.float32),
    )(h, degp)

    msgp = _msg_kernel(pk3, h1, zm)

    out = pl.pallas_call(
        _out_body,
        grid=(N // BN,),
        in_specs=[
            pl.BlockSpec((NC, BN, D), lambda i: (0, i, 0)),
            pl.BlockSpec((BN, D), lambda i: (i, 0)),
            pl.BlockSpec((NC, BN, DW), lambda i: (0, i, 0)),
        ],
        out_specs=pl.BlockSpec((BN, D), lambda i: (i, 0)),
        out_shape=jax.ShapeDtypeStruct((N, D), jnp.float32),
    )(msgp, h1, degp)

    return out

# --- scband reference (transcript-rebuilt; emitter-appended) ---
"""Pipeline reference for scband-gcnlayer-58334245814573 (READ-ONLY COPY).

The authoritative reference and input builder live on the scoring server;
editing this copy changes nothing except your own understanding.
"""

import jax, jax.numpy as jnp
import numpy as np

N = 10000
E = 320000
D_IN = 128
D_OUT = 128


def setup_inputs(seed: int = 0) -> dict:
    key = jax.random.key(seed)
    k1, k2, k3, k4 = jax.random.split(key, 4)
    X = jax.random.normal(k1, (N, D_IN), dtype=jnp.float32)
    edge_index = jax.random.randint(k2, (2, E), 0, N, dtype=jnp.int32)
    # Linear layer params (W: [out, in], b: [out]) matching nn.Linear(in_size, out_size)
    W = jax.random.normal(k3, (D_OUT, D_IN), dtype=jnp.float32) * (1.0 / np.sqrt(D_IN))
    b = jax.random.normal(k4, (D_OUT,), dtype=jnp.float32) * 0.01
    return {"edge_index": edge_index, "X": X, "W": W, "b": b}


def reference(edge_index, X, W, b):
    # A is sparse [N, N] with A[row, col] = 1 for each edge.
    row = edge_index[0]
    col = edge_index[1]
    # A_hat = A + I; D_hat = diag(A_hat.sum(0)) -> column sums + 1 (self loop)
    deg = jnp.bincount(col, length=N).astype(X.dtype) + 1.0
    d_inv_sqrt = deg ** -0.5
    # H = W(X) = X @ W^T + b
    H = X @ W.T + b
    # out = D^{-1/2} @ A_hat @ D^{-1/2} @ H
    H1 = H * d_inv_sqrt[:, None]
    # sparse matmul A @ H1: out[row] += H1[col]
    msg = jax.ops.segment_sum(H1[col], row, num_segments=N)
    # + I @ H1 for self loops
    out = (msg + H1) * d_inv_sqrt[:, None]
    return out

if __name__ == "__main__":
    import jax
    _d = setup_inputs()
    print(jax.jit(kernel)(*tuple(_d.values())))

</pallas_src>

<mosaic_0001>
#map = affine_map<(d0, d1) -> (0, 0, 0)>
#map1 = affine_map<(d0, d1) -> (0, 0)>
module attributes {stable_mosaic.version = 14 : i64} {
  func.func @_deg_kernel(%arg0: i32, %arg1: i32, %arg2: memref<32x79x128xi32, #tpu.memory_space<hbm>>, %arg3: memref<128x128xf32, #tpu.memory_space<hbm>>, %arg4: memref<10240x128xf32, #tpu.memory_space<hbm>>, %arg5: memref<2x10240x128xf32, #tpu.memory_space<hbm>>, %arg6: memref<79x128xi32, #tpu.memory_space<vmem>>, %arg7: memref<128x128xf32, #tpu.memory_space<vmem>>, %arg8: memref<10240x128xf32, #tpu.memory_space<vmem_shared>>) attributes {dimension_semantics = [#tpu.dimension_semantics<core_parallel>, #tpu.dimension_semantics<subcore_parallel>], iteration_bounds = array<i64: 2, 16>, scalar_prefetch = 0 : i64, scratch_operands = 3 : i64, tpu.core_type = #tpu.core_type<sc_vector_subcore>, window_params = [{transform_indices = #map}, {transform_indices = #map1}, {transform_indices = #map1}, {transform_indices = #map}]} {
    %mul3A = arith.constant 2 : i32
    %mul3A_0 = arith.muli %arg1, %mul3A : i32
    %add3A = arith.addi %mul3A_0, %arg0 : i32
    %mul3A_1 = arith.constant 640 : i32
    %mul3A_2 = arith.muli %arg1, %mul3A_1 : i32
    "tpu.region"() ({
      %run_scoped3A = tpu.sem_alloc : memref<!tpu.dma_semaphore, #tpu.memory_space<semaphore_mem>>
      %dma_start3A = arith.constant 0 : i32
      %dma_start3A_9 = arith.constant 0 : i32
      %dma_start3A_10 = tpu.memref_slice %arg2[%add3A, %dma_start3A, %dma_start3A_9] : memref<32x79x128xi32, #tpu.memory_space<hbm>> -> memref<1x79x128xi32, #tpu.memory_space<hbm>>
      %dma_start3A_11 = tpu.memref_squeeze %dma_start3A_10 : memref<1x79x128xi32, #tpu.memory_space<hbm>> -> memref<79x128xi32, #tpu.memory_space<hbm>>
      %dma_start3A_12 = arith.constant 0 : i32
      %dma_start3A_13 = arith.constant 0 : i32
      %dma_start3A_14 = tpu.memref_slice %arg2[%add3A, %dma_start3A_12, %dma_start3A_13] : memref<32x79x128xi32, #tpu.memory_space<hbm>> -> memref<1x79x128xi32, #tpu.memory_space<hbm>>
      %dma_start3A_15 = tpu.memref_squeeze %dma_start3A_14 : memref<1x79x128xi32, #tpu.memory_space<hbm>> -> memref<79x128xi32, #tpu.memory_space<hbm>>
      tpu.enqueue_dma source(%dma_start3A_15 : memref<79x128xi32, #tpu.memory_space<hbm>>) target(%arg6 : memref<79x128xi32, #tpu.memory_space<vmem>>) target_semaphore(%run_scoped3A : memref<!tpu.dma_semaphore, #tpu.memory_space<semaphore_mem>>)
      %dma_wait3A = arith.constant 0 : i32
      %dma_wait3A_16 = arith.constant 0 : i32
      %dma_wait3A_17 = tpu.memref_slice %arg2[%add3A, %dma_wait3A, %dma_wait3A_16] : memref<32x79x128xi32, #tpu.memory_space<hbm>> -> memref<1x79x128xi32, #tpu.memory_space<hbm>>
      %dma_wait3A_18 = tpu.memref_squeeze %dma_wait3A_17 : memref<1x79x128xi32, #tpu.memory_space<hbm>> -> memref<79x128xi32, #tpu.memory_space<hbm>>
      %dma_wait3A_19 = arith.constant 0 : i32
      %dma_wait3A_20 = arith.constant 0 : i32
      %dma_wait3A_21 = tpu.memref_slice %arg2[%add3A, %dma_wait3A_19, %dma_wait3A_20] : memref<32x79x128xi32, #tpu.memory_space<hbm>> -> memref<1x79x128xi32, #tpu.memory_space<hbm>>
      %dma_wait3A_22 = tpu.memref_squeeze %dma_wait3A_21 : memref<1x79x128xi32, #tpu.memory_space<hbm>> -> memref<79x128xi32, #tpu.memory_space<hbm>>
      tpu.wait_dma2 semaphore(%run_scoped3A : memref<!tpu.dma_semaphore, #tpu.memory_space<semaphore_mem>>) src(%dma_wait3A_22 : memref<79x128xi32, #tpu.memory_space<hbm>>) dst(%arg6 : memref<79x128xi32, #tpu.memory_space<vmem>>)
      tpu.yield
    }) : () -> ()
    "tpu.region"() ({
      %run_scoped3A = tpu.sem_alloc : memref<!tpu.dma_semaphore, #tpu.memory_space<semaphore_mem>>
      tpu.enqueue_dma source(%arg3 : memref<128x128xf32, #tpu.memory_space<hbm>>) target(%arg7 : memref<128x128xf32, #tpu.memory_space<vmem>>) target_semaphore(%run_scoped3A : memref<!tpu.dma_semaphore, #tpu.memory_space<semaphore_mem>>)
      tpu.wait_dma2 semaphore(%run_scoped3A : memref<!tpu.dma_semaphore, #tpu.memory_space<semaphore_mem>>) src(%arg3 : memref<128x128xf32, #tpu.memory_space<hbm>>) dst(%arg7 : memref<128x128xf32, #tpu.memory_space<vmem>>)
      tpu.yield
    }) : () -> ()
    "tpu.region"() ({
      %run_scoped3A = tpu.sem_alloc : memref<!tpu.dma_semaphore, #tpu.memory_space<semaphore_mem>>
      %dma_start3A = arith.constant 0 : i32
      %dma_start3A_9 = tpu.memref_slice %arg8[%mul3A_2, %dma_start3A] : memref<10240x128xf32, #tpu.memory_space<vmem_shared>> -> memref<640x128xf32, #tpu.memory_space<vmem_shared>>
      %dma_start3A_10 = arith.constant 0 : i32
      %dma_start3A_11 = tpu.memref_slice %arg4[%mul3A_2, %dma_start3A_10] : memref<10240x128xf32, #tpu.memory_space<hbm>> -> memref<640x128xf32, #tpu.memory_space<hbm>>
      tpu.enqueue_dma source(%dma_start3A_11 : memref<640x128xf32, #tpu.memory_space<hbm>>) target(%dma_start3A_9 : memref<640x128xf32, #tpu.memory_space<vmem_shared>>) target_semaphore(%run_scoped3A : memref<!tpu.dma_semaphore, #tpu.memory_space<semaphore_mem>>)
      %dma_wait3A = arith.constant 0 : i32
      %dma_wait3A_12 = tpu.memref_slice %arg8[%mul3A_2, %dma_wait3A] : memref<10240x128xf32, #tpu.memory_space<vmem_shared>> -> memref<640x128xf32, #tpu.memory_space<vmem_shared>>
      %dma_wait3A_13 = arith.constant 0 : i32
      %dma_wait3A_14 = tpu.memref_slice %arg4[%mul3A_2, %dma_wait3A_13] : memref<10240x128xf32, #tpu.memory_space<hbm>> -> memref<640x128xf32, #tpu.memory_space<hbm>>
      tpu.wait_dma2 semaphore(%run_scoped3A : memref<!tpu.dma_semaphore, #tpu.memory_space<semaphore_mem>>) src(%dma_wait3A_14 : memref<640x128xf32, #tpu.memory_space<hbm>>) dst(%dma_wait3A_12 : memref<640x128xf32, #tpu.memory_space<vmem_shared>>)
      tpu.yield
    }) : () -> ()
    %barrier3A = arith.constant 0 : index
    tpu.barrier barrier_id(%barrier3A)
    %scan3A = arith.constant 0 : i32
    %scan3A_3 = arith.constant 0 : i32
    %scan3A_4 = arith.constant 79 : i32
    %scan3A_5 = arith.addi %scan3A_3, %scan3A_4 : i32
    %scan3A_6 = arith.constant 1 : i32
    scf.for %scan3A_9 = %scan3A_3 to %scan3A_5 step %scan3A_6  : i32 {
      "tpu.region"() ({
        %run_scoped3A = tpu.sem_alloc : memref<!tpu.dma_semaphore, #tpu.memory_space<semaphore_mem>>
        %dma_start3A = arith.constant 0 : i32
        %dma_start3A_10 = tpu.memref_slice %arg6[%scan3A_9, %dma_start3A] : memref<79x128xi32, #tpu.memory_space<vmem>> -> memref<1x128xi32, #tpu.memory_space<vmem>>
        %dma_start3A_11 = tpu.memref_squeeze %dma_start3A_10 : memref<1x128xi32, #tpu.memory_space<vmem>> -> memref<128xi32, #tpu.memory_space<vmem>>
        %dma_start3A_12 = arith.constant 0 : i32
        %dma_start3A_13 = arith.constant 0 : i32
        %dma_start3A_14 = tpu.memref_slice %arg8[%dma_start3A_12, %dma_start3A_13] : memref<10240x128xf32, #tpu.memory_space<vmem_shared>> -> memref<10240x128xf32, #tpu.memory_space<vmem_shared>>
        tpu.enqueue_indirect_dma source(%arg7 : memref<128x128xf32, #tpu.memory_space<vmem>>) target(%dma_start3A_14 : memref<10240x128xf32, #tpu.memory_space<vmem_shared>>) offsets(%dma_start3A_11 : memref<128xi32, #tpu.memory_space<vmem>>) semaphore(%run_scoped3A : memref<!tpu.dma_semaphore, #tpu.memory_space<semaphore_mem>>) {add = true}
        %dma_wait3A = arith.constant 0 : i32
        %dma_wait3A_15 = tpu.memref_slice %arg6[%scan3A_9, %dma_wait3A] : memref<79x128xi32, #tpu.memory_space<vmem>> -> memref<1x128xi32, #tpu.memory_space<vmem>>
        %dma_wait3A_16 = tpu.memref_squeeze %dma_wait3A_15 : memref<1x128xi32, #tpu.memory_space<vmem>> -> memref<128xi32, #tpu.memory_space<vmem>>
        %dma_wait3A_17 = arith.constant 0 : i32
        %dma_wait3A_18 = arith.constant 0 : i32
        %dma_wait3A_19 = tpu.memref_slice %arg8[%dma_wait3A_17, %dma_wait3A_18] : memref<10240x128xf32, #tpu.memory_space<vmem_shared>> -> memref<10240x128xf32, #tpu.memory_space<vmem_shared>>
        tpu.wait_indirect_dma semaphore(%run_scoped3A : memref<!tpu.dma_semaphore, #tpu.memory_space<semaphore_mem>>) src(%arg7 : memref<128x128xf32, #tpu.memory_space<vmem>>) dst(%dma_wait3A_19 : memref<10240x128xf32, #tpu.memory_space<vmem_shared>>)
        tpu.yield
      }) : () -> ()
    }
    %scan3A_7 = arith.constant 79 : i32
    %barrier3A_8 = arith.constant 0 : index
    tpu.barrier barrier_id(%barrier3A_8)
    "tpu.region"() ({
      %run_scoped3A = tpu.sem_alloc : memref<!tpu.dma_semaphore, #tpu.memory_space<semaphore_mem>>
      %dma_start3A = arith.constant 0 : i32
      %dma_start3A_9 = tpu.memref_slice %arg5[%arg0, %mul3A_2, %dma_start3A] : memref<2x10240x128xf32, #tpu.memory_space<hbm>> -> memref<1x640x128xf32, #tpu.memory_space<hbm>>
      %dma_start3A_10 = tpu.memref_squeeze %dma_start3A_9 : memref<1x640x128xf32, #tpu.memory_space<hbm>> -> memref<640x128xf32, #tpu.memory_space<hbm>>
      %dma_start3A_11 = arith.constant 0 : i32
      %dma_start3A_12 = tpu.memref_slice %arg8[%mul3A_2, %dma_start3A_11] : memref<10240x128xf32, #tpu.memory_space<vmem_shared>> -> memref<640x128xf32, #tpu.memory_space<vmem_shared>>
      tpu.enqueue_dma source(%dma_start3A_12 : memref<640x128xf32, #tpu.memory_space<vmem_shared>>) target(%dma_start3A_10 : memref<640x128xf32, #tpu.memory_space<hbm>>) target_semaphore(%run_scoped3A : memref<!tpu.dma_semaphore, #tpu.memory_space<semaphore_mem>>)
      %dma_wait3A = arith.constant 0 : i32
      %dma_wait3A_13 = tpu.memref_slice %arg5[%arg0, %mul3A_2, %dma_wait3A] : memref<2x10240x128xf32, #tpu.memory_space<hbm>> -> memref<1x640x128xf32, #tpu.memory_space<hbm>>
      %dma_wait3A_14 = tpu.memref_squeeze %dma_wait3A_13 : memref<1x640x128xf32, #tpu.memory_space<hbm>> -> memref<640x128xf32, #tpu.memory_space<hbm>>
      %dma_wait3A_15 = arith.constant 0 : i32
      %dma_wait3A_16 = tpu.memref_slice %arg8[%mul3A_2, %dma_wait3A_15] : memref<10240x128xf32, #tpu.memory_space<vmem_shared>> -> memref<640x128xf32, #tpu.memory_space<vmem_shared>>
      tpu.wait_dma2 semaphore(%run_scoped3A : memref<!tpu.dma_semaphore, #tpu.memory_space<semaphore_mem>>) src(%dma_wait3A_16 : memref<640x128xf32, #tpu.memory_space<vmem_shared>>) dst(%dma_wait3A_14 : memref<640x128xf32, #tpu.memory_space<hbm>>)
      tpu.yield
    }) : () -> ()
    return
  }
}

#map = affine_map<(d0, d1) -> (0, 0, 0)>
#map1 = affine_map<(d0, d1) -> (0, 0)>
module attributes {stable_mosaic.version = 14 : i64} {
  func.func @_msg_kernel(%arg0: i32, %arg1: i32, %arg2: memref<32x125x80xi32, #tpu.memory_space<hbm>>, %arg3: memref<10000x128xf32, #tpu.memory_space<hbm>>, %arg4: memref<10240x128xf32, #tpu.memory_space<hbm>>, %arg5: memref<2x10240x128xf32, #tpu.memory_space<hbm>>, %arg6: memref<125x80xi32, #tpu.memory_space<vmem>>, %arg7: memref<2x80xi32, #tpu.memory_space<vmem>>, %arg8: memref<2x80xi32, #tpu.memory_space<vmem>>, %arg9: memref<80x128xf32, #tpu.memory_space<vmem>>, %arg10: memref<80x128xf32, #tpu.memory_space<vmem>>, %arg11: memref<10240x128xf32, #tpu.memory_space<vmem_shared>>, %arg12: memref<!tpu.dma_semaphore, #tpu.memory_space<semaphore_mem>>, %arg13: memref<!tpu.dma_semaphore, #tpu.memory_space<semaphore_mem>>) attributes {dimension_semantics = [#tpu.dimension_semantics<core_parallel>, #tpu.dimension_semantics<subcore_parallel>], iteration_bounds = array<i64: 2, 16>, scalar_prefetch = 0 : i64, scratch_operands = 8 : i64, tpu.core_type = #tpu.core_type<sc_vector_subcore>, window_params = [{transform_indices = #map}, {transform_indices = #map1}, {transform_indices = #map1}, {transform_indices = #map}]} {
    %mul3A = arith.constant 2 : i32
    %mul3A_0 = arith.muli %arg1, %mul3A : i32
    %add3A = arith.addi %mul3A_0, %arg0 : i32
    %mul3A_1 = arith.constant 640 : i32
    %mul3A_2 = arith.muli %arg1, %mul3A_1 : i32
    "tpu.region"() ({
      %run_scoped3A_247 = tpu.sem_alloc : memref<!tpu.dma_semaphore, #tpu.memory_space<semaphore_mem>>
      %dma_start3A_248 = arith.constant 0 : i32
      %dma_start3A_249 = arith.constant 0 : i32
      %dma_start3A_250 = tpu.memref_slice %arg2[%add3A, %dma_start3A_248, %dma_start3A_249] : memref<32x125x80xi32, #tpu.memory_space<hbm>> -> memref<1x125x80xi32, #tpu.memory_space<hbm>>
      %dma_start3A_251 = tpu.memref_squeeze %dma_start3A_250 : memref<1x125x80xi32, #tpu.memory_space<hbm>> -> memref<125x80xi32, #tpu.memory_space<hbm>>
      %dma_start3A_252 = arith.constant 0 : i32
      %dma_start3A_253 = arith.constant 0 : i32
      %dma_start3A_254 = tpu.memref_slice %arg2[%add3A, %dma_start3A_252, %dma_start3A_253] : memref<32x125x80xi32, #tpu.memory_space<hbm>> -> memref<1x125x80xi32, #tpu.memory_space<hbm>>
      %dma_start3A_255 = tpu.memref_squeeze %dma_start3A_254 : memref<1x125x80xi32, #tpu.memory_space<hbm>> -> memref<125x80xi32, #tpu.memory_space<hbm>>
      tpu.enqueue_dma source(%dma_start3A_255 : memref<125x80xi32, #tpu.memory_space<hbm>>) target(%arg6 : memref<125x80xi32, #tpu.memory_space<vmem>>) target_semaphore(%run_scoped3A_247 : memref<!tpu.dma_semaphore, #tpu.memory_space<semaphore_mem>>)
      %dma_wait3A_256 = arith.constant 0 : i32
      %dma_wait3A_257 = arith.constant 0 : i32
      %dma_wait3A_258 = tpu.memref_slice %arg2[%add3A, %dma_wait3A_256, %dma_wait3A_257] : memref<32x125x80xi32, #tpu.memory_space<hbm>> -> memref<1x125x80xi32, #tpu.memory_space<hbm>>
      %dma_wait3A_259 = tpu.memref_squeeze %dma_wait3A_258 : memref<1x125x80xi32, #tpu.memory_space<hbm>> -> memref<125x80xi32, #tpu.memory_space<hbm>>
      %dma_wait3A_260 = arith.constant 0 : i32
      %dma_wait3A_261 = arith.constant 0 : i32
      %dma_wait3A_262 = tpu.memref_slice %arg2[%add3A, %dma_wait3A_260, %dma_wait3A_261] : memref<32x125x80xi32, #tpu.memory_space<hbm>> -> memref<1x125x80xi32, #tpu.memory_space<hbm>>
      %dma_wait3A_263 = tpu.memref_squeeze %dma_wait3A_262 : memref<1x125x80xi32, #tpu.memory_space<hbm>> -> memref<125x80xi32, #tpu.memory_space<hbm>>
      tpu.wait_dma2 semaphore(%run_scoped3A_247 : memref<!tpu.dma_semaphore, #tpu.memory_space<semaphore_mem>>) src(%dma_wait3A_263 : memref<125x80xi32, #tpu.memory_space<hbm>>) dst(%arg6 : memref<125x80xi32, #tpu.memory_space<vmem>>)
      tpu.yield
    }) : () -> ()
    "tpu.region"() ({
      %run_scoped3A_247 = tpu.sem_alloc : memref<!tpu.dma_semaphore, #tpu.memory_space<semaphore_mem>>
      %dma_start3A_248 = arith.constant 0 : i32
      %dma_start3A_249 = tpu.memref_slice %arg11[%mul3A_2, %dma_start3A_248] : memref<10240x128xf32, #tpu.memory_space<vmem_shared>> -> memref<640x128xf32, #tpu.memory_space<vmem_shared>>
      %dma_start3A_250 = arith.constant 0 : i32
      %dma_start3A_251 = tpu.memref_slice %arg4[%mul3A_2, %dma_start3A_250] : memref<10240x128xf32, #tpu.memory_space<hbm>> -> memref<640x128xf32, #tpu.memory_space<hbm>>
      tpu.enqueue_dma source(%dma_start3A_251 : memref<640x128xf32, #tpu.memory_space<hbm>>) target(%dma_start3A_249 : memref<640x128xf32, #tpu.memory_space<vmem_shared>>) target_semaphore(%run_scoped3A_247 : memref<!tpu.dma_semaphore, #tpu.memory_space<semaphore_mem>>)
      %dma_wait3A_252 = arith.constant 0 : i32
      %dma_wait3A_253 = tpu.memref_slice %arg11[%mul3A_2, %dma_wait3A_252] : memref<10240x128xf32, #tpu.memory_space<vmem_shared>> -> memref<640x128xf32, #tpu.memory_space<vmem_shared>>
      %dma_wait3A_254 = arith.constant 0 : i32
      %dma_wait3A_255 = tpu.memref_slice %arg4[%mul3A_2, %dma_wait3A_254] : memref<10240x128xf32, #tpu.memory_space<hbm>> -> memref<640x128xf32, #tpu.memory_space<hbm>>
      tpu.wait_dma2 semaphore(%run_scoped3A_247 : memref<!tpu.dma_semaphore, #tpu.memory_space<semaphore_mem>>) src(%dma_wait3A_255 : memref<640x128xf32, #tpu.memory_space<hbm>>) dst(%dma_wait3A_253 : memref<640x128xf32, #tpu.memory_space<vmem_shared>>)
      tpu.yield
    }) : () -> ()
    %get3A = arith.constant 0 : i32
    %get3A_3 = arith.index_cast %get3A : i32 to index
    %get3A_4 = arith.constant 0 : index
    %get3A_5 = tpu.vector_load %arg6[%get3A_3, %get3A_4] {strides = array<i32>} : memref<125x80xi32, #tpu.memory_space<vmem>>, vector<1x16xi32>,
    %get3A_6 = vector.shape_cast %get3A_5 : vector<1x16xi32> to vector<16xi32>
    %and3A = arith.constant 16383 : i32
    %and3A_7 = vector.broadcast %and3A : i32 to vector<16xi32>
    %and3A_8 = arith.andi %get3A_6, %and3A_7 : vector<16xi32>
    %swap3A = arith.constant 0 : i32
    %swap3A_9 = arith.index_cast %swap3A : i32 to index
    %swap3A_10 = arith.constant 0 : index
    %swap3A_11 = tpu.vector_load %arg7[%swap3A_9, %swap3A_10] {strides = array<i32>} : memref<2x80xi32, #tpu.memory_space<vmem>>, vector<1x16xi32>,
    %swap3A_12 = vector.shape_cast %swap3A_11 : vector<1x16xi32> to vector<16xi32>
    %swap3A_13 = vector.shape_cast %and3A_8 : vector<16xi32> to vector<1x16xi32>
    tpu.vector_store %arg7[%swap3A_9, %swap3A_10], %swap3A_13 {strides = array<i32>} : memref<2x80xi32, #tpu.memory_space<vmem>>, vector<1x16xi32>,
    %shift_right_arithmetic3A = arith.constant 14 : i32
    %shift_right_arithmetic3A_14 = vector.broadcast %shift_right_arithmetic3A : i32 to vector<16xi32>
    %shift_right_arithmetic3A_15 = arith.shrsi %get3A_6, %shift_right_arithmetic3A_14 : vector<16xi32>
    %swap3A_16 = arith.constant 0 : i32
    %swap3A_17 = arith.index_cast %swap3A_16 : i32 to index
    %swap3A_18 = arith.constant 0 : index
    %swap3A_19 = tpu.vector_load %arg8[%swap3A_17, %swap3A_18] {strides = array<i32>} : memref<2x80xi32, #tpu.memory_space<vmem>>, vector<1x16xi32>,
    %swap3A_20 = vector.shape_cast %swap3A_19 : vector<1x16xi32> to vector<16xi32>
    %swap3A_21 = vector.shape_cast %shift_right_arithmetic3A_15 : vector<16xi32> to vector<1x16xi32>
    tpu.vector_store %arg8[%swap3A_17, %swap3A_18], %swap3A_21 {strides = array<i32>} : memref<2x80xi32, #tpu.memory_space<vmem>>, vector<1x16xi32>,
    %get3A_22 = arith.constant 0 : i32
    %get3A_23 = arith.index_cast %get3A_22 : i32 to index
    %get3A_24 = arith.constant 16 : index
    %get3A_25 = tpu.vector_load %arg6[%get3A_23, %get3A_24] {strides = array<i32>} : memref<125x80xi32, #tpu.memory_space<vmem>>, vector<1x16xi32>,
    %get3A_26 = vector.shape_cast %get3A_25 : vector<1x16xi32> to vector<16xi32>
    %and3A_27 = arith.constant 16383 : i32
    %and3A_28 = vector.broadcast %and3A_27 : i32 to vector<16xi32>
    %and3A_29 = arith.andi %get3A_26, %and3A_28 : vector<16xi32>
    %swap3A_30 = arith.constant 0 : i32
    %swap3A_31 = arith.index_cast %swap3A_30 : i32 to index
    %swap3A_32 = arith.constant 16 : index
    %swap3A_33 = tpu.vector_load %arg7[%swap3A_31, %swap3A_32] {strides = array<i32>} : memref<2x80xi32, #tpu.memory_space<vmem>>, vector<1x16xi32>,
    %swap3A_34 = vector.shape_cast %swap3A_33 : vector<1x16xi32> to vector<16xi32>
    %swap3A_35 = vector.shape_cast %and3A_29 : vector<16xi32> to vector<1x16xi32>
    tpu.vector_store %arg7[%swap3A_31, %swap3A_32], %swap3A_35 {strides = array<i32>} : memref<2x80xi32, #tpu.memory_space<vmem>>, vector<1x16xi32>,
    %shift_right_arithmetic3A_36 = arith.constant 14 : i32
    %shift_right_arithmetic3A_37 = vector.broadcast %shift_right_arithmetic3A_36 : i32 to vector<16xi32>
    %shift_right_arithmetic3A_38 = arith.shrsi %get3A_26, %shift_right_arithmetic3A_37 : vector<16xi32>
    %swap3A_39 = arith.constant 0 : i32
    %swap3A_40 = arith.index_cast %swap3A_39 : i32 to index
    %swap3A_41 = arith.constant 16 : index
    %swap3A_42 = tpu.vector_load %arg8[%swap3A_40, %swap3A_41] {strides = array<i32>} : memref<2x80xi32, #tpu.memory_space<vmem>>, vector<1x16xi32>,
    %swap3A_43 = vector.shape_cast %swap3A_42 : vector<1x16xi32> to vector<16xi32>
    %swap3A_44 = vector.shape_cast %shift_right_arithmetic3A_38 : vector<16xi32> to vector<1x16xi32>
    tpu.vector_store %arg8[%swap3A_40, %swap3A_41], %swap3A_44 {strides = array<i32>} : memref<2x80xi32, #tpu.memory_space<vmem>>, vector<1x16xi32>,
    %get3A_45 = arith.constant 0 : i32
    %get3A_46 = arith.index_cast %get3A_45 : i32 to index
    %get3A_47 = arith.constant 32 : index
    %get3A_48 = tpu.vector_load %arg6[%get3A_46, %get3A_47] {strides = array<i32>} : memref<125x80xi32, #tpu.memory_space<vmem>>, vector<1x16xi32>,
    %get3A_49 = vector.shape_cast %get3A_48 : vector<1x16xi32> to vector<16xi32>
    %and3A_50 = arith.constant 16383 : i32
    %and3A_51 = vector.broadcast %and3A_50 : i32 to vector<16xi32>
    %and3A_52 = arith.andi %get3A_49, %and3A_51 : vector<16xi32>
    %swap3A_53 = arith.constant 0 : i32
    %swap3A_54 = arith.index_cast %swap3A_53 : i32 to index
    %swap3A_55 = arith.constant 32 : index
    %swap3A_56 = tpu.vector_load %arg7[%swap3A_54, %swap3A_55] {strides = array<i32>} : memref<2x80xi32, #tpu.memory_space<vmem>>, vector<1x16xi32>,
    %swap3A_57 = vector.shape_cast %swap3A_56 : vector<1x16xi32> to vector<16xi32>
    %swap3A_58 = vector.shape_cast %and3A_52 : vector<16xi32> to vector<1x16xi32>
    tpu.vector_store %arg7[%swap3A_54, %swap3A_55], %swap3A_58 {strides = array<i32>} : memref<2x80xi32, #tpu.memory_space<vmem>>, vector<1x16xi32>,
    %shift_right_arithmetic3A_59 = arith.constant 14 : i32
    %shift_right_arithmetic3A_60 = vector.broadcast %shift_right_arithmetic3A_59 : i32 to vector<16xi32>
    %shift_right_arithmetic3A_61 = arith.shrsi %get3A_49, %shift_right_arithmetic3A_60 : vector<16xi32>
    %swap3A_62 = arith.constant 0 : i32
    %swap3A_63 = arith.index_cast %swap3A_62 : i32 to index
    %swap3A_64 = arith.constant 32 : index
    %swap3A_65 = tpu.vector_load %arg8[%swap3A_63, %swap3A_64] {strides = array<i32>} : memref<2x80xi32, #tpu.memory_space<vmem>>, vector<1x16xi32>,
    %swap3A_66 = vector.shape_cast %swap3A_65 : vector<1x16xi32> to vector<16xi32>
    %swap3A_67 = vector.shape_cast %shift_right_arithmetic3A_61 : vector<16xi32> to vector<1x16xi32>
    tpu.vector_store %arg8[%swap3A_63, %swap3A_64], %swap3A_67 {strides = array<i32>} : memref<2x80xi32, #tpu.memory_space<vmem>>, vector<1x16xi32>,
    %get3A_68 = arith.constant 0 : i32
    %get3A_69 = arith.index_cast %get3A_68 : i32 to index
    %get3A_70 = arith.constant 48 : index
    %get3A_71 = tpu.vector_load %arg6[%get3A_69, %get3A_70] {strides = array<i32>} : memref<125x80xi32, #tpu.memory_space<vmem>>, vector<1x16xi32>,
    %get3A_72 = vector.shape_cast %get3A_71 : vector<1x16xi32> to vector<16xi32>
    %and3A_73 = arith.constant 16383 : i32
    %and3A_74 = vector.broadcast %and3A_73 : i32 to vector<16xi32>
    %and3A_75 = arith.andi %get3A_72, %and3A_74 : vector<16xi32>
    %swap3A_76 = arith.constant 0 : i32
    %swap3A_77 = arith.index_cast %swap3A_76 : i32 to index
    %swap3A_78 = arith.constant 48 : index
    %swap3A_79 = tpu.vector_load %arg7[%swap3A_77, %swap3A_78] {strides = array<i32>} : memref<2x80xi32, #tpu.memory_space<vmem>>, vector<1x16xi32>,
    %swap3A_80 = vector.shape_cast %swap3A_79 : vector<1x16xi32> to vector<16xi32>
    %swap3A_81 = vector.shape_cast %and3A_75 : vector<16xi32> to vector<1x16xi32>
    tpu.vector_store %arg7[%swap3A_77, %swap3A_78], %swap3A_81 {strides = array<i32>} : memref<2x80xi32, #tpu.memory_space<vmem>>, vector<1x16xi32>,
    %shift_right_arithmetic3A_82 = arith.constant 14 : i32
    %shift_right_arithmetic3A_83 = vector.broadcast %shift_right_arithmetic3A_82 : i32 to vector<16xi32>
    %shift_right_arithmetic3A_84 = arith.shrsi %get3A_72, %shift_right_arithmetic3A_83 : vector<16xi32>
    %swap3A_85 = arith.constant 0 : i32
    %swap3A_86 = arith.index_cast %swap3A_85 : i32 to index
    %swap3A_87 = arith.constant 48 : index
    %swap3A_88 = tpu.vector_load %arg8[%swap3A_86, %swap3A_87] {strides = array<i32>} : memref<2x80xi32, #tpu.memory_space<vmem>>, vector<1x16xi32>,
    %swap3A_89 = vector.shape_cast %swap3A_88 : vector<1x16xi32> to vector<16xi32>
    %swap3A_90 = vector.shape_cast %shift_right_arithmetic3A_84 : vector<16xi32> to vector<1x16xi32>
    tpu.vector_store %arg8[%swap3A_86, %swap3A_87], %swap3A_90 {strides = array<i32>} : memref<2x80xi32, #tpu.memory_space<vmem>>, vector<1x16xi32>,
    %get3A_91 = arith.constant 0 : i32
    %get3A_92 = arith.index_cast %get3A_91 : i32 to index
    %get3A_93 = arith.constant 64 : index
    %get3A_94 = tpu.vector_load %arg6[%get3A_92, %get3A_93] {strides = array<i32>} : memref<125x80xi32, #tpu.memory_space<vmem>>, vector<1x16xi32>,
    %get3A_95 = vector.shape_cast %get3A_94 : vector<1x16xi32> to vector<16xi32>
    %and3A_96 = arith.constant 16383 : i32
    %and3A_97 = vector.broadcast %and3A_96 : i32 to vector<16xi32>
    %and3A_98 = arith.andi %get3A_95, %and3A_97 : vector<16xi32>
    %swap3A_99 = arith.constant 0 : i32
    %swap3A_100 = arith.index_cast %swap3A_99 : i32 to index
    %swap3A_101 = arith.constant 64 : index
    %swap3A_102 = tpu.vector_load %arg7[%swap3A_100, %swap3A_101] {strides = array<i32>} : memref<2x80xi32, #tpu.memory_space<vmem>>, vector<1x16xi32>,
    %swap3A_103 = vector.shape_cast %swap3A_102 : vector<1x16xi32> to vector<16xi32>
    %swap3A_104 = vector.shape_cast %and3A_98 : vector<16xi32> to vector<1x16xi32>
    tpu.vector_store %arg7[%swap3A_100, %swap3A_101], %swap3A_104 {strides = array<i32>} : memref<2x80xi32, #tpu.memory_space<vmem>>, vector<1x16xi32>,
    %shift_right_arithmetic3A_105 = arith.constant 14 : i32
    %shift_right_arithmetic3A_106 = vector.broadcast %shift_right_arithmetic3A_105 : i32 to vector<16xi32>
    %shift_right_arithmetic3A_107 = arith.shrsi %get3A_95, %shift_right_arithmetic3A_106 : vector<16xi32>
    %swap3A_108 = arith.constant 0 : i32
    %swap3A_109 = arith.index_cast %swap3A_108 : i32 to index
    %swap3A_110 = arith.constant 64 : index
    %swap3A_111 = tpu.vector_load %arg8[%swap3A_109, %swap3A_110] {strides = array<i32>} : memref<2x80xi32, #tpu.memory_space<vmem>>, vector<1x16xi32>,
    %swap3A_112 = vector.shape_cast %swap3A_111 : vector<1x16xi32> to vector<16xi32>
    %swap3A_113 = vector.shape_cast %shift_right_arithmetic3A_107 : vector<16xi32> to vector<1x16xi32>
    tpu.vector_store %arg8[%swap3A_109, %swap3A_110], %swap3A_113 {strides = array<i32>} : memref<2x80xi32, #tpu.memory_space<vmem>>, vector<1x16xi32>,
    %get3A_114 = arith.constant 1 : i32
    %get3A_115 = arith.index_cast %get3A_114 : i32 to index
    %get3A_116 = arith.constant 0 : index
    %get3A_117 = tpu.vector_load %arg6[%get3A_115, %get3A_116] {strides = array<i32>} : memref<125x80xi32, #tpu.memory_space<vmem>>, vector<1x16xi32>,
    %get3A_118 = vector.shape_cast %get3A_117 : vector<1x16xi32> to vector<16xi32>
    %and3A_119 = arith.constant 16383 : i32
    %and3A_120 = vector.broadcast %and3A_119 : i32 to vector<16xi32>
    %and3A_121 = arith.andi %get3A_118, %and3A_120 : vector<16xi32>
    %swap3A_122 = arith.constant 1 : i32
    %swap3A_123 = arith.index_cast %swap3A_122 : i32 to index
    %swap3A_124 = arith.constant 0 : index
    %swap3A_125 = tpu.vector_load %arg7[%swap3A_123, %swap3A_124] {strides = array<i32>} : memref<2x80xi32, #tpu.memory_space<vmem>>, vector<1x16xi32>,
    %swap3A_126 = vector.shape_cast %swap3A_125 : vector<1x16xi32> to vector<16xi32>
    %swap3A_127 = vector.shape_cast %and3A_121 : vector<16xi32> to vector<1x16xi32>
    tpu.vector_store %arg7[%swap3A_123, %swap3A_124], %swap3A_127 {strides = array<i32>} : memref<2x80xi32, #tpu.memory_space<vmem>>, vector<1x16xi32>,
    %shift_right_arithmetic3A_128 = arith.constant 14 : i32
    %shift_right_arithmetic3A_129 = vector.broadcast %shift_right_arithmetic3A_128 : i32 to vector<16xi32>
    %shift_right_arithmetic3A_130 = arith.shrsi %get3A_118, %shift_right_arithmetic3A_129 : vector<16xi32>
    %swap3A_131 = arith.constant 1 : i32
    %swap3A_132 = arith.index_cast %swap3A_131 : i32 to index
    %swap3A_133 = arith.constant 0 : index
    %swap3A_134 = tpu.vector_load %arg8[%swap3A_132, %swap3A_133] {strides = array<i32>} : memref<2x80xi32, #tpu.memory_space<vmem>>, vector<1x16xi32>,
    %swap3A_135 = vector.shape_cast %swap3A_134 : vector<1x16xi32> to vector<16xi32>
    %swap3A_136 = vector.shape_cast %shift_right_arithmetic3A_130 : vector<16xi32> to vector<1x16xi32>
    tpu.vector_store %arg8[%swap3A_132, %swap3A_133], %swap3A_136 {strides = array<i32>} : memref<2x80xi32, #tpu.memory_space<vmem>>, vector<1x16xi32>,
    %get3A_137 = arith.constant 1 : i32
    %get3A_138 = arith.index_cast %get3A_137 : i32 to index
    %get3A_139 = arith.constant 16 : index
    %get3A_140 = tpu.vector_load %arg6[%get3A_138, %get3A_139] {strides = array<i32>} : memref<125x80xi32, #tpu.memory_space<vmem>>, vector<1x16xi32>,
    %get3A_141 = vector.shape_cast %get3A_140 : vector<1x16xi32> to vector<16xi32>
    %and3A_142 = arith.constant 16383 : i32
    %and3A_143 = vector.broadcast %and3A_142 : i32 to vector<16xi32>
    %and3A_144 = arith.andi %get3A_141, %and3A_143 : vector<16xi32>
    %swap3A_145 = arith.constant 1 : i32
    %swap3A_146 = arith.index_cast %swap3A_145 : i32 to index
    %swap3A_147 = arith.constant 16 : index
    %swap3A_148 = tpu.vector_load %arg7[%swap3A_146, %swap3A_147] {strides = array<i32>} : memref<2x80xi32, #tpu.memory_space<vmem>>, vector<1x16xi32>,
    %swap3A_149 = vector.shape_cast %swap3A_148 : vector<1x16xi32> to vector<16xi32>
    %swap3A_150 = vector.shape_cast %and3A_144 : vector<16xi32> to vector<1x16xi32>
    tpu.vector_store %arg7[%swap3A_146, %swap3A_147], %swap3A_150 {strides = array<i32>} : memref<2x80xi32, #tpu.memory_space<vmem>>, vector<1x16xi32>,
    %shift_right_arithmetic3A_151 = arith.constant 14 : i32
    %shift_right_arithmetic3A_152 = vector.broadcast %shift_right_arithmetic3A_151 : i32 to vector<16xi32>
    %shift_right_arithmetic3A_153 = arith.shrsi %get3A_141, %shift_right_arithmetic3A_152 : vector<16xi32>
    %swap3A_154 = arith.constant 1 : i32
    %swap3A_155 = arith.index_cast %swap3A_154 : i32 to index
    %swap3A_156 = arith.constant 16 : index
    %swap3A_157 = tpu.vector_load %arg8[%swap3A_155, %swap3A_156] {strides = array<i32>} : memref<2x80xi32, #tpu.memory_space<vmem>>, vector<1x16xi32>,
    %swap3A_158 = vector.shape_cast %swap3A_157 : vector<1x16xi32> to vector<16xi32>
    %swap3A_159 = vector.shape_cast %shift_right_arithmetic3A_153 : vector<16xi32> to vector<1x16xi32>
    tpu.vector_store %arg8[%swap3A_155, %swap3A_156], %swap3A_159 {strides = array<i32>} : memref<2x80xi32, #tpu.memory_space<vmem>>, vector<1x16xi32>,
    %get3A_160 = arith.constant 1 : i32
    %get3A_161 = arith.index_cast %get3A_160 : i32 to index
    %get3A_162 = arith.constant 32 : index
    %get3A_163 = tpu.vector_load %arg6[%get3A_161, %get3A_162] {strides = array<i32>} : memref<125x80xi32, #tpu.memory_space<vmem>>, vector<1x16xi32>,
    %get3A_164 = vector.shape_cast %get3A_163 : vector<1x16xi32> to vector<16xi32>
    %and3A_165 = arith.constant 16383 : i32
    %and3A_166 = vector.broadcast %and3A_165 : i32 to vector<16xi32>
    %and3A_167 = arith.andi %get3A_164, %and3A_166 : vector<16xi32>
    %swap3A_168 = arith.constant 1 : i32
    %swap3A_169 = arith.index_cast %swap3A_168 : i32 to index
    %swap3A_170 = arith.constant 32 : index
    %swap3A_171 = tpu.vector_load %arg7[%swap3A_169, %swap3A_170] {strides = array<i32>} : memref<2x80xi32, #tpu.memory_space<vmem>>, vector<1x16xi32>,
    %swap3A_172 = vector.shape_cast %swap3A_171 : vector<1x16xi32> to vector<16xi32>
    %swap3A_173 = vector.shape_cast %and3A_167 : vector<16xi32> to vector<1x16xi32>
    tpu.vector_store %arg7[%swap3A_169, %swap3A_170], %swap3A_173 {strides = array<i32>} : memref<2x80xi32, #tpu.memory_space<vmem>>, vector<1x16xi32>,
    %shift_right_arithmetic3A_174 = arith.constant 14 : i32
    %shift_right_arithmetic3A_175 = vector.broadcast %shift_right_arithmetic3A_174 : i32 to vector<16xi32>
    %shift_right_arithmetic3A_176 = arith.shrsi %get3A_164, %shift_right_arithmetic3A_175 : vector<16xi32>
    %swap3A_177 = arith.constant 1 : i32
    %swap3A_178 = arith.index_cast %swap3A_177 : i32 to index
    %swap3A_179 = arith.constant 32 : index
    %swap3A_180 = tpu.vector_load %arg8[%swap3A_178, %swap3A_179] {strides = array<i32>} : memref<2x80xi32, #tpu.memory_space<vmem>>, vector<1x16xi32>,
    %swap3A_181 = vector.shape_cast %swap3A_180 : vector<1x16xi32> to vector<16xi32>
    %swap3A_182 = vector.shape_cast %shift_right_arithmetic3A_176 : vector<16xi32> to vector<1x16xi32>
    tpu.vector_store %arg8[%swap3A_178, %swap3A_179], %swap3A_182 {strides = array<i32>} : memref<2x80xi32, #tpu.memory_space<vmem>>, vector<1x16xi32>,
    %get3A_183 = arith.constant 1 : i32
    %get3A_184 = arith.index_cast %get3A_183 : i32 to index
    %get3A_185 = arith.constant 48 : index
    %get3A_186 = tpu.vector_load %arg6[%get3A_184, %get3A_185] {strides = array<i32>} : memref<125x80xi32, #tpu.memory_space<vmem>>, vector<1x16xi32>,
    %get3A_187 = vector.shape_cast %get3A_186 : vector<1x16xi32> to vector<16xi32>
    %and3A_188 = arith.constant 16383 : i32
    %and3A_189 = vector.broadcast %and3A_188 : i32 to vector<16xi32>
    %and3A_190 = arith.andi %get3A_187, %and3A_189 : vector<16xi32>
    %swap3A_191 = arith.constant 1 : i32
    %swap3A_192 = arith.index_cast %swap3A_191 : i32 to index
    %swap3A_193 = arith.constant 48 : index
    %swap3A_194 = tpu.vector_load %arg7[%swap3A_192, %swap3A_193] {strides = array<i32>} : memref<2x80xi32, #tpu.memory_space<vmem>>, vector<1x16xi32>,
    %swap3A_195 = vector.shape_cast %swap3A_194 : vector<1x16xi32> to vector<16xi32>
    %swap3A_196 = vector.shape_cast %and3A_190 : vector<16xi32> to vector<1x16xi32>
    tpu.vector_store %arg7[%swap3A_192, %swap3A_193], %swap3A_196 {strides = array<i32>} : memref<2x80xi32, #tpu.memory_space<vmem>>, vector<1x16xi32>,
    %shift_right_arithmetic3A_197 = arith.constant 14 : i32
    %shift_right_arithmetic3A_198 = vector.broadcast %shift_right_arithmetic3A_197 : i32 to vector<16xi32>
    %shift_right_arithmetic3A_199 = arith.shrsi %get3A_187, %shift_right_arithmetic3A_198 : vector<16xi32>
    %swap3A_200 = arith.constant 1 : i32
    %swap3A_201 = arith.index_cast %swap3A_200 : i32 to index
    %swap3A_202 = arith.constant 48 : index
    %swap3A_203 = tpu.vector_load %arg8[%swap3A_201, %swap3A_202] {strides = array<i32>} : memref<2x80xi32, #tpu.memory_space<vmem>>, vector<1x16xi32>,
    %swap3A_204 = vector.shape_cast %swap3A_203 : vector<1x16xi32> to vector<16xi32>
    %swap3A_205 = vector.shape_cast %shift_right_arithmetic3A_199 : vector<16xi32> to vector<1x16xi32>
    tpu.vector_store %arg8[%swap3A_201, %swap3A_202], %swap3A_205 {strides = array<i32>} : memref<2x80xi32, #tpu.memory_space<vmem>>, vector<1x16xi32>,
    %get3A_206 = arith.constant 1 : i32
    %get3A_207 = arith.index_cast %get3A_206 : i32 to index
    %get3A_208 = arith.constant 64 : index
    %get3A_209 = tpu.vector_load %arg6[%get3A_207, %get3A_208] {strides = array<i32>} : memref<125x80xi32, #tpu.memory_space<vmem>>, vector<1x16xi32>,
    %get3A_210 = vector.shape_cast %get3A_209 : vector<1x16xi32> to vector<16xi32>
    %and3A_211 = arith.constant 16383 : i32
    %and3A_212 = vector.broadcast %and3A_211 : i32 to vector<16xi32>
    %and3A_213 = arith.andi %get3A_210, %and3A_212 : vector<16xi32>
    %swap3A_214 = arith.constant 1 : i32
    %swap3A_215 = arith.index_cast %swap3A_214 : i32 to index
    %swap3A_216 = arith.constant 64 : index
    %swap3A_217 = tpu.vector_load %arg7[%swap3A_215, %swap3A_216] {strides = array<i32>} : memref<2x80xi32, #tpu.memory_space<vmem>>, vector<1x16xi32>,
    %swap3A_218 = vector.shape_cast %swap3A_217 : vector<1x16xi32> to vector<16xi32>
    %swap3A_219 = vector.shape_cast %and3A_213 : vector<16xi32> to vector<1x16xi32>
    tpu.vector_store %arg7[%swap3A_215, %swap3A_216], %swap3A_219 {strides = array<i32>} : memref<2x80xi32, #tpu.memory_space<vmem>>, vector<1x16xi32>,
    %shift_right_arithmetic3A_220 = arith.constant 14 : i32
    %shift_right_arithmetic3A_221 = vector.broadcast %shift_right_arithmetic3A_220 : i32 to vector<16xi32>
    %shift_right_arithmetic3A_222 = arith.shrsi %get3A_210, %shift_right_arithmetic3A_221 : vector<16xi32>
    %swap3A_223 = arith.constant 1 : i32
    %swap3A_224 = arith.index_cast %swap3A_223 : i32 to index
    %swap3A_225 = arith.constant 64 : index
    %swap3A_226 = tpu.vector_load %arg8[%swap3A_224, %swap3A_225] {strides = array<i32>} : memref<2x80xi32, #tpu.memory_space<vmem>>, vector<1x16xi32>,
    %swap3A_227 = vector.shape_cast %swap3A_226 : vector<1x16xi32> to vector<16xi32>
    %swap3A_228 = vector.shape_cast %shift_right_arithmetic3A_222 : vector<16xi32> to vector<1x16xi32>
    tpu.vector_store %arg8[%swap3A_224, %swap3A_225], %swap3A_228 {strides = array<i32>} : memref<2x80xi32, #tpu.memory_space<vmem>>, vector<1x16xi32>,
    %barrier3A = arith.constant 0 : index
    tpu.barrier barrier_id(%barrier3A)
    %dma_start3A = arith.constant 0 : i32
    %dma_start3A_229 = arith.constant 0 : i32
    %dma_start3A_230 = tpu.memref_slice %arg7[%dma_start3A, %dma_start3A_229] : memref<2x80xi32, #tpu.memory_space<vmem>> -> memref<1x80xi32, #tpu.memory_space<vmem>>
    %dma_start3A_231 = tpu.memref_squeeze %dma_start3A_230 : memref<1x80xi32, #tpu.memory_space<vmem>> -> memref<80xi32, #tpu.memory_space<vmem>>
    %dma_start3A_232 = arith.constant 0 : i32
    %dma_start3A_233 = arith.constant 0 : i32
    %dma_start3A_234 = tpu.memref_slice %arg3[%dma_start3A_232, %dma_start3A_233] : memref<10000x128xf32, #tpu.memory_space<hbm>> -> memref<10000x128xf32, #tpu.memory_space<hbm>>
    tpu.enqueue_indirect_dma source(%dma_start3A_234 : memref<10000x128xf32, #tpu.memory_space<hbm>>) target(%arg9 : memref<80x128xf32, #tpu.memory_space<vmem>>) offsets(%dma_start3A_231 : memref<80xi32, #tpu.memory_space<vmem>>) semaphore(%arg12 : memref<!tpu.dma_semaphore, #tpu.memory_space<semaphore_mem>>)
    %scan3A = arith.constant 0 : i32
    %scan3A_235 = arith.constant 0 : i32
    %scan3A_236 = arith.constant 62 : i32
    %scan3A_237 = arith.addi %scan3A_235, %scan3A_236 : i32
    %scan3A_238 = arith.constant 1 : i32
    scf.for %scan3A_247 = %scan3A_235 to %scan3A_237 step %scan3A_238  : i32 {
      %mul3A_248 = arith.constant 2 : i32
      %mul3A_249 = arith.muli %mul3A_248, %scan3A_247 : i32
      %dma_start3A_250 = arith.constant 1 : i32
      %dma_start3A_251 = arith.constant 0 : i32
      %dma_start3A_252 = tpu.memref_slice %arg7[%dma_start3A_250, %dma_start3A_251] : memref<2x80xi32, #tpu.memory_space<vmem>> -> memref<1x80xi32, #tpu.memory_space<vmem>>
      %dma_start3A_253 = tpu.memref_squeeze %dma_start3A_252 : memref<1x80xi32, #tpu.memory_space<vmem>> -> memref<80xi32, #tpu.memory_space<vmem>>
      %dma_start3A_254 = arith.constant 0 : i32
      %dma_start3A_255 = arith.constant 0 : i32
      %dma_start3A_256 = tpu.memref_slice %arg3[%dma_start3A_254, %dma_start3A_255] : memref<10000x128xf32, #tpu.memory_space<hbm>> -> memref<10000x128xf32, #tpu.memory_space<hbm>>
      tpu.enqueue_indirect_dma source(%dma_start3A_256 : memref<10000x128xf32, #tpu.memory_space<hbm>>) target(%arg10 : memref<80x128xf32, #tpu.memory_space<vmem>>) offsets(%dma_start3A_253 : memref<80xi32, #tpu.memory_space<vmem>>) semaphore(%arg13 : memref<!tpu.dma_semaphore, #tpu.memory_space<semaphore_mem>>)
      %dma_wait3A_257 = arith.constant 0 : i32
      %dma_wait3A_258 = arith.constant 0 : i32
      %dma_wait3A_259 = tpu.memref_slice %arg7[%dma_wait3A_257, %dma_wait3A_258] : memref<2x80xi32, #tpu.memory_space<vmem>> -> memref<1x80xi32, #tpu.memory_space<vmem>>
      %dma_wait3A_260 = tpu.memref_squeeze %dma_wait3A_259 : memref<1x80xi32, #tpu.memory_space<vmem>> -> memref<80xi32, #tpu.memory_space<vmem>>
      %dma_wait3A_261 = arith.constant 0 : i32
      %dma_wait3A_262 = arith.constant 0 : i32
      %dma_wait3A_263 = tpu.memref_slice %arg3[%dma_wait3A_261, %dma_wait3A_262] : memref<10000x128xf32, #tpu.memory_space<hbm>> -> memref<10000x128xf32, #tpu.memory_space<hbm>>
      tpu.wait_indirect_dma semaphore(%arg12 : memref<!tpu.dma_semaphore, #tpu.memory_space<semaphore_mem>>) src(%dma_wait3A_263 : memref<10000x128xf32, #tpu.memory_space<hbm>>) dst(%arg9 : memref<80x128xf32, #tpu.memory_space<vmem>>)
      %run_scoped3A_264 = arith.constant 0 : i32
      "tpu.region"() ({
        %run_scoped3A_507 = tpu.sem_alloc : memref<!tpu.dma_semaphore, #tpu.memory_space<semaphore_mem>>
        %dma_start3A_508 = arith.constant 0 : i32
        %dma_start3A_509 = tpu.memref_slice %arg8[%run_scoped3A_264, %dma_start3A_508] : memref<2x80xi32, #tpu.memory_space<vmem>> -> memref<1x80xi32, #tpu.memory_space<vmem>>
        %dma_start3A_510 = tpu.memref_squeeze %dma_start3A_509 : memref<1x80xi32, #tpu.memory_space<vmem>> -> memref<80xi32, #tpu.memory_space<vmem>>
        %dma_start3A_511 = arith.constant 0 : i32
        %dma_start3A_512 = arith.constant 0 : i32
        %dma_start3A_513 = tpu.memref_slice %arg11[%dma_start3A_511, %dma_start3A_512] : memref<10240x128xf32, #tpu.memory_space<vmem_shared>> -> memref<10240x128xf32, #tpu.memory_space<vmem_shared>>
        tpu.enqueue_indirect_dma source(%arg9 : memref<80x128xf32, #tpu.memory_space<vmem>>) target(%dma_start3A_513 : memref<10240x128xf32, #tpu.memory_space<vmem_shared>>) offsets(%dma_start3A_510 : memref<80xi32, #tpu.memory_space<vmem>>) semaphore(%run_scoped3A_507 : memref<!tpu.dma_semaphore, #tpu.memory_space<semaphore_mem>>) {add = true}
        %dma_wait3A_514 = arith.constant 0 : i32
        %dma_wait3A_515 = tpu.memref_slice %arg8[%run_scoped3A_264, %dma_wait3A_514] : memref<2x80xi32, #tpu.memory_space<vmem>> -> memref<1x80xi32, #tpu.memory_space<vmem>>
        %dma_wait3A_516 = tpu.memref_squeeze %dma_wait3A_515 : memref<1x80xi32, #tpu.memory_space<vmem>> -> memref<80xi32, #tpu.memory_space<vmem>>
        %dma_wait3A_517 = arith.constant 0 : i32
        %dma_wait3A_518 = arith.constant 0 : i32
        %dma_wait3A_519 = tpu.memref_slice %arg11[%dma_wait3A_517, %dma_wait3A_518] : memref<10240x128xf32, #tpu.memory_space<vmem_shared>> -> memref<10240x128xf32, #tpu.memory_space<vmem_shared>>
        tpu.wait_indirect_dma semaphore(%run_scoped3A_507 : memref<!tpu.dma_semaphore, #tpu.memory_space<semaphore_mem>>) src(%arg9 : memref<80x128xf32, #tpu.memory_space<vmem>>) dst(%dma_wait3A_519 : memref<10240x128xf32, #tpu.memory_space<vmem_shared>>)
        tpu.yield
      }) : () -> ()
      %add3A_265 = arith.constant 2 : i32
      %add3A_266 = arith.addi %mul3A_249, %add3A_265 : i32
      %min3A = arith.constant 124 : i32
      %min3A_267 = arith.minsi %add3A_266, %min3A : i32
      %get3A_268 = arith.index_cast %min3A_267 : i32 to index
      %get3A_269 = arith.constant 0 : index
      %get3A_270 = tpu.vector_load %arg6[%get3A_268, %get3A_269] {strides = array<i32>} : memref<125x80xi32, #tpu.memory_space<vmem>>, vector<1x16xi32>,
      %get3A_271 = vector.shape_cast %get3A_270 : vector<1x16xi32> to vector<16xi32>
      %and3A_272 = arith.constant 16383 : i32
      %and3A_273 = vector.broadcast %and3A_272 : i32 to vector<16xi32>
      %and3A_274 = arith.andi %get3A_271, %and3A_273 : vector<16xi32>
      %swap3A_275 = arith.constant 0 : i32
      %swap3A_276 = arith.index_cast %swap3A_275 : i32 to index
      %swap3A_277 = arith.constant 0 : index
      %swap3A_278 = tpu.vector_load %arg7[%swap3A_276, %swap3A_277] {strides = array<i32>} : memref<2x80xi32, #tpu.memory_space<vmem>>, vector<1x16xi32>,
      %swap3A_279 = vector.shape_cast %swap3A_278 : vector<1x16xi32> to vector<16xi32>
      %swap3A_280 = vector.shape_cast %and3A_274 : vector<16xi32> to vector<1x16xi32>
      tpu.vector_store %arg7[%swap3A_276, %swap3A_277], %swap3A_280 {strides = array<i32>} : memref<2x80xi32, #tpu.memory_space<vmem>>, vector<1x16xi32>,
      %shift_right_arithmetic3A_281 = arith.constant 14 : i32
      %shift_right_arithmetic3A_282 = vector.broadcast %shift_right_arithmetic3A_281 : i32 to vector<16xi32>
      %shift_right_arithmetic3A_283 = arith.shrsi %get3A_271, %shift_right_arithmetic3A_282 : vector<16xi32>
      %swap3A_284 = arith.constant 0 : i32
      %swap3A_285 = arith.index_cast %swap3A_284 : i32 to index
      %swap3A_286 = arith.constant 0 : index
      %swap3A_287 = tpu.vector_load %arg8[%swap3A_285, %swap3A_286] {strides = array<i32>} : memref<2x80xi32, #tpu.memory_space<vmem>>, vector<1x16xi32>,
      %swap3A_288 = vector.shape_cast %swap3A_287 : vector<1x16xi32> to vector<16xi32>
      %swap3A_289 = vector.shape_cast %shift_right_arithmetic3A_283 : vector<16xi32> to vector<1x16xi32>
      tpu.vector_store %arg8[%swap3A_285, %swap3A_286], %swap3A_289 {strides = array<i32>} : memref<2x80xi32, #tpu.memory_space<vmem>>, vector<1x16xi32>,
      %get3A_290 = arith.index_cast %min3A_267 : i32 to index
      %get3A_291 = arith.constant 16 : index
      %get3A_292 = tpu.vector_load %arg6[%get3A_290, %get3A_291] {strides = array<i32>} : memref<125x80xi32, #tpu.memory_space<vmem>>, vector<1x16xi32>,
      %get3A_293 = vector.shape_cast %get3A_292 : vector<1x16xi32> to vector<16xi32>
      %and3A_294 = arith.constant 16383 : i32
      %and3A_295 = vector.broadcast %and3A_294 : i32 to vector<16xi32>
      %and3A_296 = arith.andi %get3A_293, %and3A_295 : vector<16xi32>
      %swap3A_297 = arith.constant 0 : i32
      %swap3A_298 = arith.index_cast %swap3A_297 : i32 to index
      %swap3A_299 = arith.constant 16 : index
      %swap3A_300 = tpu.vector_load %arg7[%swap3A_298, %swap3A_299] {strides = array<i32>} : memref<2x80xi32, #tpu.memory_space<vmem>>, vector<1x16xi32>,
      %swap3A_301 = vector.shape_cast %swap3A_300 : vector<1x16xi32> to vector<16xi32>
      %swap3A_302 = vector.shape_cast %and3A_296 : vector<16xi32> to vector<1x16xi32>
      tpu.vector_store %arg7[%swap3A_298, %swap3A_299], %swap3A_302 {strides = array<i32>} : memref<2x80xi32, #tpu.memory_space<vmem>>, vector<1x16xi32>,
      %shift_right_arithmetic3A_303 = arith.constant 14 : i32
      %shift_right_arithmetic3A_304 = vector.broadcast %shift_right_arithmetic3A_303 : i32 to vector<16xi32>
      %shift_right_arithmetic3A_305 = arith.shrsi %get3A_293, %shift_right_arithmetic3A_304 : vector<16xi32>
      %swap3A_306 = arith.constant 0 : i32
      %swap3A_307 = arith.index_cast %swap3A_306 : i32 to index
      %swap3A_308 = arith.constant 16 : index
      %swap3A_309 = tpu.vector_load %arg8[%swap3A_307, %swap3A_308] {strides = array<i32>} : memref<2x80xi32, #tpu.memory_space<vmem>>, vector<1x16xi32>,
      %swap3A_310 = vector.shape_cast %swap3A_309 : vector<1x16xi32> to vector<16xi32>
      %swap3A_311 = vector.shape_cast %shift_right_arithmetic3A_305 : vector<16xi32> to vector<1x16xi32>
      tpu.vector_store %arg8[%swap3A_307, %swap3A_308], %swap3A_311 {strides = array<i32>} : memref<2x80xi32, #tpu.memory_space<vmem>>, vector<1x16xi32>,
      %get3A_312 = arith.index_cast %min3A_267 : i32 to index
      %get3A_313 = arith.constant 32 : index
      %get3A_314 = tpu.vector_load %arg6[%get3A_312, %get3A_313] {strides = array<i32>} : memref<125x80xi32, #tpu.memory_space<vmem>>, vector<1x16xi32>,
      %get3A_315 = vector.shape_cast %get3A_314 : vector<1x16xi32> to vector<16xi32>
      %and3A_316 = arith.constant 16383 : i32
      %and3A_317 = vector.broadcast %and3A_316 : i32 to vector<16xi32>
      %and3A_318 = arith.andi %get3A_315, %and3A_317 : vector<16xi32>
      %swap3A_319 = arith.constant 0 : i32
      %swap3A_320 = arith.index_cast %swap3A_319 : i32 to index
      %swap3A_321 = arith.constant 32 : index
      %swap3A_322 = tpu.vector_load %arg7[%swap3A_320, %swap3A_321] {strides = array<i32>} : memref<2x80xi32, #tpu.memory_space<vmem>>, vector<1x16xi32>,
      %swap3A_323 = vector.shape_cast %swap3A_322 : vector<1x16xi32> to vector<16xi32>
      %swap3A_324 = vector.shape_cast %and3A_318 : vector<16xi32> to vector<1x16xi32>
      tpu.vector_store %arg7[%swap3A_320, %swap3A_321], %swap3A_324 {strides = array<i32>} : memref<2x80xi32, #tpu.memory_space<vmem>>, vector<1x16xi32>,
      %shift_right_arithmetic3A_325 = arith.constant 14 : i32
      %shift_right_arithmetic3A_326 = vector.broadcast %shift_right_arithmetic3A_325 : i32 to vector<16xi32>
      %shift_right_arithmetic3A_327 = arith.shrsi %get3A_315, %shift_right_arithmetic3A_326 : vector<16xi32>
      %swap3A_328 = arith.constant 0 : i32
      %swap3A_329 = arith.index_cast %swap3A_328 : i32 to index
      %swap3A_330 = arith.constant 32 : index
      %swap3A_331 = tpu.vector_load %arg8[%swap3A_329, %swap3A_330] {strides = array<i32>} : memref<2x80xi32, #tpu.memory_space<vmem>>, vector<1x16xi32>,
      %swap3A_332 = vector.shape_cast %swap3A_331 : vector<1x16xi32> to vector<16xi32>
      %swap3A_333 = vector.shape_cast %shift_right_arithmetic3A_327 : vector<16xi32> to vector<1x16xi32>
      tpu.vector_store %arg8[%swap3A_329, %swap3A_330], %swap3A_333 {strides = array<i32>} : memref<2x80xi32, #tpu.memory_space<vmem>>, vector<1x16xi32>,
      %get3A_334 = arith.index_cast %min3A_267 : i32 to index
      %get3A_335 = arith.constant 48 : index
      %get3A_336 = tpu.vector_load %arg6[%get3A_334, %get3A_335] {strides = array<i32>} : memref<125x80xi32, #tpu.memory_space<vmem>>, vector<1x16xi32>,
      %get3A_337 = vector.shape_cast %get3A_336 : vector<1x16xi32> to vector<16xi32>
      %and3A_338 = arith.constant 16383 : i32
      %and3A_339 = vector.broadcast %and3A_338 : i32 to vector<16xi32>
      %and3A_340 = arith.andi %get3A_337, %and3A_339 : vector<16xi32>
      %swap3A_341 = arith.constant 0 : i32
      %swap3A_342 = arith.index_cast %swap3A_341 : i32 to index
      %swap3A_343 = arith.constant 48 : index
      %swap3A_344 = tpu.vector_load %arg7[%swap3A_342, %swap3A_343] {strides = array<i32>} : memref<2x80xi32, #tpu.memory_space<vmem>>, vector<1x16xi32>,
      %swap3A_345 = vector.shape_cast %swap3A_344 : vector<1x16xi32> to vector<16xi32>
      %swap3A_346 = vector.shape_cast %and3A_340 : vector<16xi32> to vector<1x16xi32>
      tpu.vector_store %arg7[%swap3A_342, %swap3A_343], %swap3A_346 {strides = array<i32>} : memref<2x80xi32, #tpu.memory_space<vmem>>, vector<1x16xi32>,
      %shift_right_arithmetic3A_347 = arith.constant 14 : i32
      %shift_right_arithmetic3A_348 = vector.broadcast %shift_right_arithmetic3A_347 : i32 to vector<16xi32>
      %shift_right_arithmetic3A_349 = arith.shrsi %get3A_337, %shift_right_arithmetic3A_348 : vector<16xi32>
      %swap3A_350 = arith.constant 0 : i32
      %swap3A_351 = arith.index_cast %swap3A_350 : i32 to index
      %swap3A_352 = arith.constant 48 : index
      %swap3A_353 = tpu.vector_load %arg8[%swap3A_351, %swap3A_352] {strides = array<i32>} : memref<2x80xi32, #tpu.memory_space<vmem>>, vector<1x16xi32>,
      %swap3A_354 = vector.shape_cast %swap3A_353 : vector<1x16xi32> to vector<16xi32>
      %swap3A_355 = vector.shape_cast %shift_right_arithmetic3A_349 : vector<16xi32> to vector<1x16xi32>
      tpu.vector_store %arg8[%swap3A_351, %swap3A_352], %swap3A_355 {strides = array<i32>} : memref<2x80xi32, #tpu.memory_space<vmem>>, vector<1x16xi32>,
      %get3A_356 = arith.index_cast %min3A_267 : i32 to index
      %get3A_357 = arith.constant 64 : index
      %get3A_358 = tpu.vector_load %arg6[%get3A_356, %get3A_357] {strides = array<i32>} : memref<125x80xi32, #tpu.memory_space<vmem>>, vector<1x16xi32>,
      %get3A_359 = vector.shape_cast %get3A_358 : vector<1x16xi32> to vector<16xi32>
      %and3A_360 = arith.constant 16383 : i32
      %and3A_361 = vector.broadcast %and3A_360 : i32 to vector<16xi32>
      %and3A_362 = arith.andi %get3A_359, %and3A_361 : vector<16xi32>
      %swap3A_363 = arith.constant 0 : i32
      %swap3A_364 = arith.index_cast %swap3A_363 : i32 to index
      %swap3A_365 = arith.constant 64 : index
      %swap3A_366 = tpu.vector_load %arg7[%swap3A_364, %swap3A_365] {strides = array<i32>} : memref<2x80xi32, #tpu.memory_space<vmem>>, vector<1x16xi32>,
      %swap3A_367 = vector.shape_cast %swap3A_366 : vector<1x16xi32> to vector<16xi32>
      %swap3A_368 = vector.shape_cast %and3A_362 : vector<16xi32> to vector<1x16xi32>
      tpu.vector_store %arg7[%swap3A_364, %swap3A_365], %swap3A_368 {strides = array<i32>} : memref<2x80xi32, #tpu.memory_space<vmem>>, vector<1x16xi32>,
      %shift_right_arithmetic3A_369 = arith.constant 14 : i32
      %shift_right_arithmetic3A_370 = vector.broadcast %shift_right_arithmetic3A_369 : i32 to vector<16xi32>
      %shift_right_arithmetic3A_371 = arith.shrsi %get3A_359, %shift_right_arithmetic3A_370 : vector<16xi32>
      %swap3A_372 = arith.constant 0 : i32
      %swap3A_373 = arith.index_cast %swap3A_372 : i32 to index
      %swap3A_374 = arith.constant 64 : index
      %swap3A_375 = tpu.vector_load %arg8[%swap3A_373, %swap3A_374] {strides = array<i32>} : memref<2x80xi32, #tpu.memory_space<vmem>>, vector<1x16xi32>,
      %swap3A_376 = vector.shape_cast %swap3A_375 : vector<1x16xi32> to vector<16xi32>
      %swap3A_377 = vector.shape_cast %shift_right_arithmetic3A_371 : vector<16xi32> to vector<1x16xi32>
      tpu.vector_store %arg8[%swap3A_373, %swap3A_374], %swap3A_377 {strides = array<i32>} : memref<2x80xi32, #tpu.memory_space<vmem>>, vector<1x16xi32>,
      %dma_start3A_378 = arith.constant 0 : i32
      %dma_start3A_379 = arith.constant 0 : i32
      %dma_start3A_380 = tpu.memref_slice %arg7[%dma_start3A_378, %dma_start3A_379] : memref<2x80xi32, #tpu.memory_space<vmem>> -> memref<1x80xi32, #tpu.memory_space<vmem>>
      %dma_start3A_381 = tpu.memref_squeeze %dma_start3A_380 : memref<1x80xi32, #tpu.memory_space<vmem>> -> memref<80xi32, #tpu.memory_space<vmem>>
      %dma_start3A_382 = arith.constant 0 : i32
      %dma_start3A_383 = arith.constant 0 : i32
      %dma_start3A_384 = tpu.memref_slice %arg3[%dma_start3A_382, %dma_start3A_383] : memref<10000x128xf32, #tpu.memory_space<hbm>> -> memref<10000x128xf32, #tpu.memory_space<hbm>>
      tpu.enqueue_indirect_dma source(%dma_start3A_384 : memref<10000x128xf32, #tpu.memory_space<hbm>>) target(%arg9 : memref<80x128xf32, #tpu.memory_space<vmem>>) offsets(%dma_start3A_381 : memref<80xi32, #tpu.memory_space<vmem>>) semaphore(%arg12 : memref<!tpu.dma_semaphore, #tpu.memory_space<semaphore_mem>>)
      %dma_wait3A_385 = arith.constant 1 : i32
      %dma_wait3A_386 = arith.constant 0 : i32
      %dma_wait3A_387 = tpu.memref_slice %arg7[%dma_wait3A_385, %dma_wait3A_386] : memref<2x80xi32, #tpu.memory_space<vmem>> -> memref<1x80xi32, #tpu.memory_space<vmem>>
      %dma_wait3A_388 = tpu.memref_squeeze %dma_wait3A_387 : memref<1x80xi32, #tpu.memory_space<vmem>> -> memref<80xi32, #tpu.memory_space<vmem>>
      %dma_wait3A_389 = arith.constant 0 : i32
      %dma_wait3A_390 = arith.constant 0 : i32
      %dma_wait3A_391 = tpu.memref_slice %arg3[%dma_wait3A_389, %dma_wait3A_390] : memref<10000x128xf32, #tpu.memory_space<hbm>> -> memref<10000x128xf32, #tpu.memory_space<hbm>>
      tpu.wait_indirect_dma semaphore(%arg13 : memref<!tpu.dma_semaphore, #tpu.memory_space<semaphore_mem>>) src(%dma_wait3A_391 : memref<10000x128xf32, #tpu.memory_space<hbm>>) dst(%arg10 : memref<80x128xf32, #tpu.memory_space<vmem>>)
      %run_scoped3A_392 = arith.constant 1 : i32
      "tpu.region"() ({
        %run_scoped3A_507 = tpu.sem_alloc : memref<!tpu.dma_semaphore, #tpu.memory_space<semaphore_mem>>
        %dma_start3A_508 = arith.constant 0 : i32
        %dma_start3A_509 = tpu.memref_slice %arg8[%run_scoped3A_392, %dma_start3A_508] : memref<2x80xi32, #tpu.memory_space<vmem>> -> memref<1x80xi32, #tpu.memory_space<vmem>>
        %dma_start3A_510 = tpu.memref_squeeze %dma_start3A_509 : memref<1x80xi32, #tpu.memory_space<vmem>> -> memref<80xi32, #tpu.memory_space<vmem>>
        %dma_start3A_511 = arith.constant 0 : i32
        %dma_start3A_512 = arith.constant 0 : i32
        %dma_start3A_513 = tpu.memref_slice %arg11[%dma_start3A_511, %dma_start3A_512] : memref<10240x128xf32, #tpu.memory_space<vmem_shared>> -> memref<10240x128xf32, #tpu.memory_space<vmem_shared>>
        tpu.enqueue_indirect_dma source(%arg10 : memref<80x128xf32, #tpu.memory_space<vmem>>) target(%dma_start3A_513 : memref<10240x128xf32, #tpu.memory_space<vmem_shared>>) offsets(%dma_start3A_510 : memref<80xi32, #tpu.memory_space<vmem>>) semaphore(%run_scoped3A_507 : memref<!tpu.dma_semaphore, #tpu.memory_space<semaphore_mem>>) {add = true}
        %dma_wait3A_514 = arith.constant 0 : i32
        %dma_wait3A_515 = tpu.memref_slice %arg8[%run_scoped3A_392, %dma_wait3A_514] : memref<2x80xi32, #tpu.memory_space<vmem>> -> memref<1x80xi32, #tpu.memory_space<vmem>>
        %dma_wait3A_516 = tpu.memref_squeeze %dma_wait3A_515 : memref<1x80xi32, #tpu.memory_space<vmem>> -> memref<80xi32, #tpu.memory_space<vmem>>
        %dma_wait3A_517 = arith.constant 0 : i32
        %dma_wait3A_518 = arith.constant 0 : i32
        %dma_wait3A_519 = tpu.memref_slice %arg11[%dma_wait3A_517, %dma_wait3A_518] : memref<10240x128xf32, #tpu.memory_space<vmem_shared>> -> memref<10240x128xf32, #tpu.memory_space<vmem_shared>>
        tpu.wait_indirect_dma semaphore(%run_scoped3A_507 : memref<!tpu.dma_semaphore, #tpu.memory_space<semaphore_mem>>) src(%arg10 : memref<80x128xf32, #tpu.memory_space<vmem>>) dst(%dma_wait3A_519 : memref<10240x128xf32, #tpu.memory_space<vmem_shared>>)
        tpu.yield
      }) : () -> ()
      %add3A_393 = arith.constant 3 : i32
      %add3A_394 = arith.addi %mul3A_249, %add3A_393 : i32
      %min3A_395 = arith.constant 124 : i32
      %min3A_396 = arith.minsi %add3A_394, %min3A_395 : i32
      %get3A_397 = arith.index_cast %min3A_396 : i32 to index
      %get3A_398 = arith.constant 0 : index
      %get3A_399 = tpu.vector_load %arg6[%get3A_397, %get3A_398] {strides = array<i32>} : memref<125x80xi32, #tpu.memory_space<vmem>>, vector<1x16xi32>,
      %get3A_400 = vector.shape_cast %get3A_399 : vector<1x16xi32> to vector<16xi32>
      %and3A_401 = arith.constant 16383 : i32
      %and3A_402 = vector.broadcast %and3A_401 : i32 to vector<16xi32>
      %and3A_403 = arith.andi %get3A_400, %and3A_402 : vector<16xi32>
      %swap3A_404 = arith.constant 1 : i32
      %swap3A_405 = arith.index_cast %swap3A_404 : i32 to index
      %swap3A_406 = arith.constant 0 : index
      %swap3A_407 = tpu.vector_load %arg7[%swap3A_405, %swap3A_406] {strides = array<i32>} : memref<2x80xi32, #tpu.memory_space<vmem>>, vector<1x16xi32>,
      %swap3A_408 = vector.shape_cast %swap3A_407 : vector<1x16xi32> to vector<16xi32>
      %swap3A_409 = vector.shape_cast %and3A_403 : vector<16xi32> to vector<1x16xi32>
      tpu.vector_store %arg7[%swap3A_405, %swap3A_406], %swap3A_409 {strides = array<i32>} : memref<2x80xi32, #tpu.memory_space<vmem>>, vector<1x16xi32>,
      %shift_right_arithmetic3A_410 = arith.constant 14 : i32
      %shift_right_arithmetic3A_411 = vector.broadcast %shift_right_arithmetic3A_410 : i32 to vector<16xi32>
      %shift_right_arithmetic3A_412 = arith.shrsi %get3A_400, %shift_right_arithmetic3A_411 : vector<16xi32>
      %swap3A_413 = arith.constant 1 : i32
      %swap3A_414 = arith.index_cast %swap3A_413 : i32 to index
      %swap3A_415 = arith.constant 0 : index
      %swap3A_416 = tpu.vector_load %arg8[%swap3A_414, %swap3A_415] {strides = array<i32>} : memref<2x80xi32, #tpu.memory_space<vmem>>, vector<1x16xi32>,
      %swap3A_417 = vector.shape_cast %swap3A_416 : vector<1x16xi32> to vector<16xi32>
      %swap3A_418 = vector.shape_cast %shift_right_arithmetic3A_412 : vector<16xi32> to vector<1x16xi32>
      tpu.vector_store %arg8[%swap3A_414, %swap3A_415], %swap3A_418 {strides = array<i32>} : memref<2x80xi32, #tpu.memory_space<vmem>>, vector<1x16xi32>,
      %get3A_419 = arith.index_cast %min3A_396 : i32 to index
      %get3A_420 = arith.constant 16 : index
      %get3A_421 = tpu.vector_load %arg6[%get3A_419, %get3A_420] {strides = array<i32>} : memref<125x80xi32, #tpu.memory_space<vmem>>, vector<1x16xi32>,
      %get3A_422 = vector.shape_cast %get3A_421 : vector<1x16xi32> to vector<16xi32>
      %and3A_423 = arith.constant 16383 : i32
      %and3A_424 = vector.broadcast %and3A_423 : i32 to vector<16xi32>
      %and3A_425 = arith.andi %get3A_422, %and3A_424 : vector<16xi32>
      %swap3A_426 = arith.constant 1 : i32
      %swap3A_427 = arith.index_cast %swap3A_426 : i32 to index
      %swap3A_428 = arith.constant 16 : index
      %swap3A_429 = tpu.vector_load %arg7[%swap3A_427, %swap3A_428] {strides = array<i32>} : memref<2x80xi32, #tpu.memory_space<vmem>>, vector<1x16xi32>,
      %swap3A_430 = vector.shape_cast %swap3A_429 : vector<1x16xi32> to vector<16xi32>
      %swap3A_431 = vector.shape_cast %and3A_425 : vector<16xi32> to vector<1x16xi32>
      tpu.vector_store %arg7[%swap3A_427, %swap3A_428], %swap3A_431 {strides = array<i32>} : memref<2x80xi32, #tpu.memory_space<vmem>>, vector<1x16xi32>,
      %shift_right_arithmetic3A_432 = arith.constant 14 : i32
      %shift_right_arithmetic3A_433 = vector.broadcast %shift_right_arithmetic3A_432 : i32 to vector<16xi32>
      %shift_right_arithmetic3A_434 = arith.shrsi %get3A_422, %shift_right_arithmetic3A_433 : vector<16xi32>
      %swap3A_435 = arith.constant 1 : i32
      %swap3A_436 = arith.index_cast %swap3A_435 : i32 to index
      %swap3A_437 = arith.constant 16 : index
      %swap3A_438 = tpu.vector_load %arg8[%swap3A_436, %swap3A_437] {strides = array<i32>} : memref<2x80xi32, #tpu.memory_space<vmem>>, vector<1x16xi32>,
      %swap3A_439 = vector.shape_cast %swap3A_438 : vector<1x16xi32> to vector<16xi32>
      %swap3A_440 = vector.shape_cast %shift_right_arithmetic3A_434 : vector<16xi32> to vector<1x16xi32>
      tpu.vector_store %arg8[%swap3A_436, %swap3A_437], %swap3A_440 {strides = array<i32>} : memref<2x80xi32, #tpu.memory_space<vmem>>, vector<1x16xi32>,
      %get3A_441 = arith.index_cast %min3A_396 : i32 to index
      %get3A_442 = arith.constant 32 : index
      %get3A_443 = tpu.vector_load %arg6[%get3A_441, %get3A_442] {strides = array<i32>} : memref<125x80xi32, #tpu.memory_space<vmem>>, vector<1x16xi32>,
      %get3A_444 = vector.shape_cast %get3A_443 : vector<1x16xi32> to vector<16xi32>
      %and3A_445 = arith.constant 16383 : i32
      %and3A_446 = vector.broadcast %and3A_445 : i32 to vector<16xi32>
      %and3A_447 = arith.andi %get3A_444, %and3A_446 : vector<16xi32>
      %swap3A_448 = arith.constant 1 : i32
      %swap3A_449 = arith.index_cast %swap3A_448 : i32 to index
      %swap3A_450 = arith.constant 32 : index
      %swap3A_451 = tpu.vector_load %arg7[%swap3A_449, %swap3A_450] {strides = array<i32>} : memref<2x80xi32, #tpu.memory_space<vmem>>, vector<1x16xi32>,
      %swap3A_452 = vector.shape_cast %swap3A_451 : vector<1x16xi32> to vector<16xi32>
      %swap3A_453 = vector.shape_cast %and3A_447 : vector<16xi32> to vector<1x16xi32>
      tpu.vector_store %arg7[%swap3A_449, %swap3A_450], %swap3A_453 {strides = array<i32>} : memref<2x80xi32, #tpu.memory_space<vmem>>, vector<1x16xi32>,
      %shift_right_arithmetic3A_454 = arith.constant 14 : i32
      %shift_right_arithmetic3A_455 = vector.broadcast %shift_right_arithmetic3A_454 : i32 to vector<16xi32>
      %shift_right_arithmetic3A_456 = arith.shrsi %get3A_444, %shift_right_arithmetic3A_455 : vector<16xi32>
      %swap3A_457 = arith.constant 1 : i32
      %swap3A_458 = arith.index_cast %swap3A_457 : i32 to index
      %swap3A_459 = arith.constant 32 : index
      %swap3A_460 = tpu.vector_load %arg8[%swap3A_458, %swap3A_459] {strides = array<i32>} : memref<2x80xi32, #tpu.memory_space<vmem>>, vector<1x16xi32>,
      %swap3A_461 = vector.shape_cast %swap3A_460 : vector<1x16xi32> to vector<16xi32>
      %swap3A_462 = vector.shape_cast %shift_right_arithmetic3A_456 : vector<16xi32> to vector<1x16xi32>
      tpu.vector_store %arg8[%swap3A_458, %swap3A_459], %swap3A_462 {strides = array<i32>} : memref<2x80xi32, #tpu.memory_space<vmem>>, vector<1x16xi32>,
      %get3A_463 = arith.index_cast %min3A_396 : i32 to index
      %get3A_464 = arith.constant 48 : index
      %get3A_465 = tpu.vector_load %arg6[%get3A_463, %get3A_464] {strides = array<i32>} : memref<125x80xi32, #tpu.memory_space<vmem>>, vector<1x16xi32>,
      %get3A_466 = vector.shape_cast %get3A_465 : vector<1x16xi32> to vector<16xi32>
      %and3A_467 = arith.constant 16383 : i32
      %and3A_468 = vector.broadcast %and3A_467 : i32 to vector<16xi32>
      %and3A_469 = arith.andi %get3A_466, %and3A_468 : vector<16xi32>
      %swap3A_470 = arith.constant 1 : i32
      %swap3A_471 = arith.index_cast %swap3A_470 : i32 to index
      %swap3A_472 = arith.constant 48 : index
      %swap3A_473 = tpu.vector_load %arg7[%swap3A_471, %swap3A_472] {strides = array<i32>} : memref<2x80xi32, #tpu.memory_space<vmem>>, vector<1x16xi32>,
      %swap3A_474 = vector.shape_cast %swap3A_473 : vector<1x16xi32> to vector<16xi32>
      %swap3A_475 = vector.shape_cast %and3A_469 : vector<16xi32> to vector<1x16xi32>
      tpu.vector_store %arg7[%swap3A_471, %swap3A_472], %swap3A_475 {strides = array<i32>} : memref<2x80xi32, #tpu.memory_space<vmem>>, vector<1x16xi32>,
      %shift_right_arithmetic3A_476 = arith.constant 14 : i32
      %shift_right_arithmetic3A_477 = vector.broadcast %shift_right_arithmetic3A_476 : i32 to vector<16xi32>
      %shift_right_arithmetic3A_478 = arith.shrsi %get3A_466, %shift_right_arithmetic3A_477 : vector<16xi32>
      %swap3A_479 = arith.constant 1 : i32
      %swap3A_480 = arith.index_cast %swap3A_479 : i32 to index
      %swap3A_481 = arith.constant 48 : index
      %swap3A_482 = tpu.vector_load %arg8[%swap3A_480, %swap3A_481] {strides = array<i32>} : memref<2x80xi32, #tpu.memory_space<vmem>>, vector<1x16xi32>,
      %swap3A_483 = vector.shape_cast %swap3A_482 : vector<1x16xi32> to vector<16xi32>
      %swap3A_484 = vector.shape_cast %shift_right_arithmetic3A_478 : vector<16xi32> to vector<1x16xi32>
      tpu.vector_store %arg8[%swap3A_480, %swap3A_481], %swap3A_484 {strides = array<i32>} : memref<2x80xi32, #tpu.memory_space<vmem>>, vector<1x16xi32>,
      %get3A_485 = arith.index_cast %min3A_396 : i32 to index
      %get3A_486 = arith.constant 64 : index
      %get3A_487 = tpu.vector_load %arg6[%get3A_485, %get3A_486] {strides = array<i32>} : memref<125x80xi32, #tpu.memory_space<vmem>>, vector<1x16xi32>,
      %get3A_488 = vector.shape_cast %get3A_487 : vector<1x16xi32> to vector<16xi32>
      %and3A_489 = arith.constant 16383 : i32
      %and3A_490 = vector.broadcast %and3A_489 : i32 to vector<16xi32>
      %and3A_491 = arith.andi %get3A_488, %and3A_490 : vector<16xi32>
      %swap3A_492 = arith.constant 1 : i32
      %swap3A_493 = arith.index_cast %swap3A_492 : i32 to index
      %swap3A_494 = arith.constant 64 : index
      %swap3A_495 = tpu.vector_load %arg7[%swap3A_493, %swap3A_494] {strides = array<i32>} : memref<2x80xi32, #tpu.memory_space<vmem>>, vector<1x16xi32>,
      %swap3A_496 = vector.shape_cast %swap3A_495 : vector<1x16xi32> to vector<16xi32>
      %swap3A_497 = vector.shape_cast %and3A_491 : vector<16xi32> to vector<1x16xi32>
      tpu.vector_store %arg7[%swap3A_493, %swap3A_494], %swap3A_497 {strides = array<i32>} : memref<2x80xi32, #tpu.memory_space<vmem>>, vector<1x16xi32>,
      %shift_right_arithmetic3A_498 = arith.constant 14 : i32
      %shift_right_arithmetic3A_499 = vector.broadcast %shift_right_arithmetic3A_498 : i32 to vector<16xi32>
      %shift_right_arithmetic3A_500 = arith.shrsi %get3A_488, %shift_right_arithmetic3A_499 : vector<16xi32>
      %swap3A_501 = arith.constant 1 : i32
      %swap3A_502 = arith.index_cast %swap3A_501 : i32 to index
      %swap3A_503 = arith.constant 64 : index
      %swap3A_504 = tpu.vector_load %arg8[%swap3A_502, %swap3A_503] {strides = array<i32>} : memref<2x80xi32, #tpu.memory_space<vmem>>, vector<1x16xi32>,
      %swap3A_505 = vector.shape_cast %swap3A_504 : vector<1x16xi32> to vector<16xi32>
      %swap3A_506 = vector.shape_cast %shift_right_arithmetic3A_500 : vector<16xi32> to vector<1x16xi32>
      tpu.vector_store %arg8[%swap3A_502, %swap3A_503], %swap3A_506 {strides = array<i32>} : memref<2x80xi32, #tpu.memory_space<vmem>>, vector<1x16xi32>,
    }
    %scan3A_239 = arith.constant 62 : i32
    %dma_wait3A = arith.constant 0 : i32
    %dma_wait3A_240 = arith.constant 0 : i32
    %dma_wait3A_241 = tpu.memref_slice %arg7[%dma_wait3A, %dma_wait3A_240] : memref<2x80xi32, #tpu.memory_space<vmem>> -> memref<1x80xi32, #tpu.memory_space<vmem>>
    %dma_wait3A_242 = tpu.memref_squeeze %dma_wait3A_241 : memref<1x80xi32, #tpu.memory_space<vmem>> -> memref<80xi32, #tpu.memory_space<vmem>>
    %dma_wait3A_243 = arith.constant 0 : i32
    %dma_wait3A_244 = arith.constant 0 : i32
    %dma_wait3A_245 = tpu.memref_slice %arg3[%dma_wait3A_243, %dma_wait3A_244] : memref<10000x128xf32, #tpu.memory_space<hbm>> -> memref<10000x128xf32, #tpu.memory_space<hbm>>
    tpu.wait_indirect_dma semaphore(%arg12 : memref<!tpu.dma_semaphore, #tpu.memory_space<semaphore_mem>>) src(%dma_wait3A_245 : memref<10000x128xf32, #tpu.memory_space<hbm>>) dst(%arg9 : memref<80x128xf32, #tpu.memory_space<vmem>>)
    %run_scoped3A = arith.constant 0 : i32
    "tpu.region"() ({
      %run_scoped3A_247 = tpu.sem_alloc : memref<!tpu.dma_semaphore, #tpu.memory_space<semaphore_mem>>
      %dma_start3A_248 = arith.constant 0 : i32
      %dma_start3A_249 = tpu.memref_slice %arg8[%run_scoped3A, %dma_start3A_248] : memref<2x80xi32, #tpu.memory_space<vmem>> -> memref<1x80xi32, #tpu.memory_space<vmem>>
      %dma_start3A_250 = tpu.memref_squeeze %dma_start3A_249 : memref<1x80xi32, #tpu.memory_space<vmem>> -> memref<80xi32, #tpu.memory_space<vmem>>
      %dma_start3A_251 = arith.constant 0 : i32
      %dma_start3A_252 = arith.constant 0 : i32
      %dma_start3A_253 = tpu.memref_slice %arg11[%dma_start3A_251, %dma_start3A_252] : memref<10240x128xf32, #tpu.memory_space<vmem_shared>> -> memref<10240x128xf32, #tpu.memory_space<vmem_shared>>
      tpu.enqueue_indirect_dma source(%arg9 : memref<80x128xf32, #tpu.memory_space<vmem>>) target(%dma_start3A_253 : memref<10240x128xf32, #tpu.memory_space<vmem_shared>>) offsets(%dma_start3A_250 : memref<80xi32, #tpu.memory_space<vmem>>) semaphore(%run_scoped3A_247 : memref<!tpu.dma_semaphore, #tpu.memory_space<semaphore_mem>>) {add = true}
      %dma_wait3A_254 = arith.constant 0 : i32
      %dma_wait3A_255 = tpu.memref_slice %arg8[%run_scoped3A, %dma_wait3A_254] : memref<2x80xi32, #tpu.memory_space<vmem>> -> memref<1x80xi32, #tpu.memory_space<vmem>>
      %dma_wait3A_256 = tpu.memref_squeeze %dma_wait3A_255 : memref<1x80xi32, #tpu.memory_space<vmem>> -> memref<80xi32, #tpu.memory_space<vmem>>
      %dma_wait3A_257 = arith.constant 0 : i32
      %dma_wait3A_258 = arith.constant 0 : i32
      %dma_wait3A_259 = tpu.memref_slice %arg11[%dma_wait3A_257, %dma_wait3A_258] : memref<10240x128xf32, #tpu.memory_space<vmem_shared>> -> memref<10240x128xf32, #tpu.memory_space<vmem_shared>>
      tpu.wait_indirect_dma semaphore(%run_scoped3A_247 : memref<!tpu.dma_semaphore, #tpu.memory_space<semaphore_mem>>) src(%arg9 : memref<80x128xf32, #tpu.memory_space<vmem>>) dst(%dma_wait3A_259 : memref<10240x128xf32, #tpu.memory_space<vmem_shared>>)
      tpu.yield
    }) : () -> ()
    %barrier3A_246 = arith.constant 0 : index
    tpu.barrier barrier_id(%barrier3A_246)
    "tpu.region"() ({
      %run_scoped3A_247 = tpu.sem_alloc : memref<!tpu.dma_semaphore, #tpu.memory_space<semaphore_mem>>
      %dma_start3A_248 = arith.constant 0 : i32
      %dma_start3A_249 = tpu.memref_slice %arg5[%arg0, %mul3A_2, %dma_start3A_248] : memref<2x10240x128xf32, #tpu.memory_space<hbm>> -> memref<1x640x128xf32, #tpu.memory_space<hbm>>
      %dma_start3A_250 = tpu.memref_squeeze %dma_start3A_249 : memref<1x640x128xf32, #tpu.memory_space<hbm>> -> memref<640x128xf32, #tpu.memory_space<hbm>>
      %dma_start3A_251 = arith.constant 0 : i32
      %dma_start3A_252 = tpu.memref_slice %arg11[%mul3A_2, %dma_start3A_251] : memref<10240x128xf32, #tpu.memory_space<vmem_shared>> -> memref<640x128xf32, #tpu.memory_space<vmem_shared>>
      tpu.enqueue_dma source(%dma_start3A_252 : memref<640x128xf32, #tpu.memory_space<vmem_shared>>) target(%dma_start3A_250 : memref<640x128xf32, #tpu.memory_space<hbm>>) target_semaphore(%run_scoped3A_247 : memref<!tpu.dma_semaphore, #tpu.memory_space<semaphore_mem>>)
      %dma_wait3A_253 = arith.constant 0 : i32
      %dma_wait3A_254 = tpu.memref_slice %arg5[%arg0, %mul3A_2, %dma_wait3A_253] : memref<2x10240x128xf32, #tpu.memory_space<hbm>> -> memref<1x640x128xf32, #tpu.memory_space<hbm>>
      %dma_wait3A_255 = tpu.memref_squeeze %dma_wait3A_254 : memref<1x640x128xf32, #tpu.memory_space<hbm>> -> memref<640x128xf32, #tpu.memory_space<hbm>>
      %dma_wait3A_256 = arith.constant 0 : i32
      %dma_wait3A_257 = tpu.memref_slice %arg11[%mul3A_2, %dma_wait3A_256] : memref<10240x128xf32, #tpu.memory_space<vmem_shared>> -> memref<640x128xf32, #tpu.memory_space<vmem_shared>>
      tpu.wait_dma2 semaphore(%run_scoped3A_247 : memref<!tpu.dma_semaphore, #tpu.memory_space<semaphore_mem>>) src(%dma_wait3A_257 : memref<640x128xf32, #tpu.memory_space<vmem_shared>>) dst(%dma_wait3A_255 : memref<640x128xf32, #tpu.memory_space<hbm>>)
      tpu.yield
    }) : () -> ()
    return
  }
}

module attributes {stable_mosaic.version = 14 : i64} {
  func.func @_mm_body(%arg0: i32, %arg1: memref<1000x128xf32, #tpu.memory_space<vmem>>, %arg2: memref<128x128xf32, #tpu.memory_space<vmem>>, %arg3: memref<1x128xf32, #tpu.memory_space<vmem>>, %arg4: memref<1000x128xf32, #tpu.memory_space<vmem>>) attributes {dimension_semantics = [#tpu.dimension_semantics<arbitrary>], iteration_bounds = array<i64: 10>, scalar_prefetch = 0 : i64, scratch_operands = 0 : i64, tpu.core_type = #tpu.core_type<tc>, window_params = [{transform_indices = @transform_0, window_bounds = array<i64: 1000, 128>}, {pipeline_mode = #tpu.pipeline_mode<synchronous>, transform_indices = @transform_1, window_bounds = array<i64: 128, 128>}, {pipeline_mode = #tpu.pipeline_mode<synchronous>, transform_indices = @transform_2, window_bounds = array<i64: 1, 128>}, {transform_indices = @transform_3, window_bounds = array<i64: 1000, 128>}]} {
    %get3A = arith.constant 0 : index
    %get3A_0 = arith.constant 0 : index
    %get3A_1 = vector.load %arg1[%get3A, %get3A_0] : memref<1000x128xf32, #tpu.memory_space<vmem>>, vector<1000x128xf32>
    %get3A_2 = arith.constant 0 : index
    %get3A_3 = arith.constant 0 : index
    %get3A_4 = vector.load %arg2[%get3A_2, %get3A_3] : memref<128x128xf32, #tpu.memory_space<vmem>>, vector<128x128xf32>
    %dot_general3A = arith.constant dense<0.000000e+00> : vector<1000x128xf32>
    %dot_general3A_5 = tpu.matmul %get3A_1, %get3A_4, %dot_general3A {dimension_numbers = #tpu.dot_dimension_numbers<[1], [1], [0], [0], [0, 0, 1, 0], [], []>, transpose_lhs_hint = false} : vector<1000x128xf32>, vector<128x128xf32>, vector<1000x128xf32> -> vector<1000x128xf32>
    %get3A_6 = arith.constant 0 : index
    %get3A_7 = arith.constant 0 : index
    %get3A_8 = vector.load %arg3[%get3A_6, %get3A_7] : memref<1x128xf32, #tpu.memory_space<vmem>>, vector<1x128xf32>
    %add3A = vector.broadcast %get3A_8 : vector<1x128xf32> to vector<1000x128xf32>
    %add3A_9 = arith.addf %dot_general3A_5, %add3A : vector<1000x128xf32>
    %swap3A = arith.constant 0 : index
    %swap3A_10 = arith.constant 0 : index
    %swap3A_11 = vector.load %arg4[%swap3A, %swap3A_10] : memref<1000x128xf32, #tpu.memory_space<vmem>>, vector<1000x128xf32>
    tpu.vector_store %arg4[%swap3A, %swap3A_10], %add3A_9 {strides = array<i32>} : memref<1000x128xf32, #tpu.memory_space<vmem>>, vector<1000x128xf32>,
    return
  }
  func.func @transform_0(%arg0: i32) -> (i32, i32) {
    %c0_i32 = arith.constant 0 : i32
    %c0_i32_0 = arith.constant 0 : i32
    return %arg0, %c0_i32 : i32, i32
  }
  func.func @transform_1(%arg0: i32) -> (i32, i32) {
    %c0_i32 = arith.constant 0 : i32
    %c0_i32_0 = arith.constant 0 : i32
    %c0_i32_1 = arith.constant 0 : i32
    return %c0_i32, %c0_i32_0 : i32, i32
  }
  func.func @transform_2(%arg0: i32) -> (i32, i32) {
    %c0_i32 = arith.constant 0 : i32
    %c0_i32_0 = arith.constant 0 : i32
    %c0_i32_1 = arith.constant 0 : i32
    return %c0_i32, %c0_i32_0 : i32, i32
  }
  func.func @transform_3(%arg0: i32) -> (i32, i32) {
    %c0_i32 = arith.constant 0 : i32
    %c0_i32_0 = arith.constant 0 : i32
    return %arg0, %c0_i32 : i32, i32
  }
}

module attributes {stable_mosaic.version = 14 : i64} {
  func.func @_out_body(%arg0: i32, %arg1: memref<2x1000x128xf32, #tpu.memory_space<vmem>>, %arg2: memref<1000x128xf32, #tpu.memory_space<vmem>>, %arg3: memref<2x1000x128xf32, #tpu.memory_space<vmem>>, %arg4: memref<1000x128xf32, #tpu.memory_space<vmem>>) attributes {dimension_semantics = [#tpu.dimension_semantics<arbitrary>], iteration_bounds = array<i64: 10>, scalar_prefetch = 0 : i64, scratch_operands = 0 : i64, tpu.core_type = #tpu.core_type<tc>, window_params = [{transform_indices = @transform_0, window_bounds = array<i64: 2, 1000, 128>}, {transform_indices = @transform_1, window_bounds = array<i64: 1000, 128>}, {transform_indices = @transform_2, window_bounds = array<i64: 2, 1000, 128>}, {transform_indices = @transform_3, window_bounds = array<i64: 1000, 128>}]} {
    %get3A = arith.constant 0 : index
    %get3A_0 = arith.constant 0 : index
    %get3A_1 = arith.constant 0 : index
    %get3A_2 = vector.load %arg3[%get3A, %get3A_0, %get3A_1] : memref<2x1000x128xf32, #tpu.memory_space<vmem>>, vector<1x1000x128xf32>
    %get3A_3 = vector.shape_cast %get3A_2 : vector<1x1000x128xf32> to vector<1000x128xf32>
    %get3A_4 = arith.constant 1 : index
    %get3A_5 = arith.constant 0 : index
    %get3A_6 = arith.constant 0 : index
    %get3A_7 = vector.load %arg3[%get3A_4, %get3A_5, %get3A_6] : memref<2x1000x128xf32, #tpu.memory_space<vmem>>, vector<1x1000x128xf32>
    %get3A_8 = vector.shape_cast %get3A_7 : vector<1x1000x128xf32> to vector<1000x128xf32>
    %add3A = arith.addf %get3A_3, %get3A_8 : vector<1000x128xf32>
    %add3A_9 = arith.constant 1.000000e+00 : f32
    %add3A_10 = vector.broadcast %add3A_9 : f32 to vector<1000x128xf32>
    %add3A_11 = arith.addf %add3A, %add3A_10 : vector<1000x128xf32>
    %rsqrt3A = math.rsqrt %add3A_11 : vector<1000x128xf32>
    %get3A_12 = arith.constant 0 : index
    %get3A_13 = arith.constant 0 : index
    %get3A_14 = arith.constant 0 : index
    %get3A_15 = vector.load %arg1[%get3A_12, %get3A_13, %get3A_14] : memref<2x1000x128xf32, #tpu.memory_space<vmem>>, vector<1x1000x128xf32>
    %get3A_16 = vector.shape_cast %get3A_15 : vector<1x1000x128xf32> to vector<1000x128xf32>
    %get3A_17 = arith.constant 1 : index
    %get3A_18 = arith.constant 0 : index
    %get3A_19 = arith.constant 0 : index
    %get3A_20 = vector.load %arg1[%get3A_17, %get3A_18, %get3A_19] : memref<2x1000x128xf32, #tpu.memory_space<vmem>>, vector<1x1000x128xf32>
    %get3A_21 = vector.shape_cast %get3A_20 : vector<1x1000x128xf32> to vector<1000x128xf32>
    %add3A_22 = arith.addf %get3A_16, %get3A_21 : vector<1000x128xf32>
    %get3A_23 = arith.constant 0 : index
    %get3A_24 = arith.constant 0 : index
    %get3A_25 = vector.load %arg2[%get3A_23, %get3A_24] : memref<1000x128xf32, #tpu.memory_space<vmem>>, vector<1000x128xf32>
    %add3A_26 = arith.addf %add3A_22, %get3A_25 : vector<1000x128xf32>
    %mul3A = arith.mulf %add3A_26, %rsqrt3A : vector<1000x128xf32>
    %swap3A = arith.constant 0 : index
    %swap3A_27 = arith.constant 0 : index
    %swap3A_28 = vector.load %arg4[%swap3A, %swap3A_27] : memref<1000x128xf32, #tpu.memory_space<vmem>>, vector<1000x128xf32>
    tpu.vector_store %arg4[%swap3A, %swap3A_27], %mul3A {strides = array<i32>} : memref<1000x128xf32, #tpu.memory_space<vmem>>, vector<1000x128xf32>,
    return
  }
  func.func @transform_0(%arg0: i32) -> (i32, i32, i32) {
    %c0_i32 = arith.constant 0 : i32
    %c0_i32_0 = arith.constant 0 : i32
    %c0_i32_1 = arith.constant 0 : i32
    return %c0_i32, %arg0, %c0_i32_0 : i32, i32, i32
  }
  func.func @transform_1(%arg0: i32) -> (i32, i32) {
    %c0_i32 = arith.constant 0 : i32
    %c0_i32_0 = arith.constant 0 : i32
    return %arg0, %c0_i32 : i32, i32
  }
  func.func @transform_2(%arg0: i32) -> (i32, i32, i32) {
    %c0_i32 = arith.constant 0 : i32
    %c0_i32_0 = arith.constant 0 : i32
    %c0_i32_1 = arith.constant 0 : i32
    return %c0_i32, %arg0, %c0_i32_0 : i32, i32, i32
  }
  func.func @transform_3(%arg0: i32) -> (i32, i32) {
    %c0_i32 = arith.constant 0 : i32
    %c0_i32_0 = arith.constant 0 : i32
    return %arg0, %c0_i32 : i32, i32
  }
}

module attributes {stable_mosaic.version = 14 : i64} {
  func.func @_h1_body(%arg0: i32, %arg1: memref<1000x128xf32, #tpu.memory_space<vmem>>, %arg2: memref<2x1000x128xf32, #tpu.memory_space<vmem>>, %arg3: memref<1000x128xf32, #tpu.memory_space<vmem>>) attributes {dimension_semantics = [#tpu.dimension_semantics<arbitrary>], iteration_bounds = array<i64: 10>, scalar_prefetch = 0 : i64, scratch_operands = 0 : i64, tpu.core_type = #tpu.core_type<tc>, window_params = [{transform_indices = @transform_0, window_bounds = array<i64: 1000, 128>}, {transform_indices = @transform_1, window_bounds = array<i64: 2, 1000, 128>}, {transform_indices = @transform_2, window_bounds = array<i64: 1000, 128>}]} {
    %get3A = arith.constant 0 : index
    %get3A_0 = arith.constant 0 : index
    %get3A_1 = arith.constant 0 : index
    %get3A_2 = vector.load %arg2[%get3A, %get3A_0, %get3A_1] : memref<2x1000x128xf32, #tpu.memory_space<vmem>>, vector<1x1000x128xf32>
    %get3A_3 = vector.shape_cast %get3A_2 : vector<1x1000x128xf32> to vector<1000x128xf32>
    %get3A_4 = arith.constant 1 : index
    %get3A_5 = arith.constant 0 : index
    %get3A_6 = arith.constant 0 : index
    %get3A_7 = vector.load %arg2[%get3A_4, %get3A_5, %get3A_6] : memref<2x1000x128xf32, #tpu.memory_space<vmem>>, vector<1x1000x128xf32>
    %get3A_8 = vector.shape_cast %get3A_7 : vector<1x1000x128xf32> to vector<1000x128xf32>
    %add3A = arith.addf %get3A_3, %get3A_8 : vector<1000x128xf32>
    %add3A_9 = arith.constant 1.000000e+00 : f32
    %add3A_10 = vector.broadcast %add3A_9 : f32 to vector<1000x128xf32>
    %add3A_11 = arith.addf %add3A, %add3A_10 : vector<1000x128xf32>
    %rsqrt3A = math.rsqrt %add3A_11 : vector<1000x128xf32>
    %get3A_12 = arith.constant 0 : index
    %get3A_13 = arith.constant 0 : index
    %get3A_14 = vector.load %arg1[%get3A_12, %get3A_13] : memref<1000x128xf32, #tpu.memory_space<vmem>>, vector<1000x128xf32>
    %mul3A = arith.mulf %get3A_14, %rsqrt3A : vector<1000x128xf32>
    %swap3A = arith.constant 0 : index
    %swap3A_15 = arith.constant 0 : index
    %swap3A_16 = vector.load %arg3[%swap3A, %swap3A_15] : memref<1000x128xf32, #tpu.memory_space<vmem>>, vector<1000x128xf32>
    tpu.vector_store %arg3[%swap3A, %swap3A_15], %mul3A {strides = array<i32>} : memref<1000x128xf32, #tpu.memory_space<vmem>>, vector<1000x128xf32>,
    return
  }
  func.func @transform_0(%arg0: i32) -> (i32, i32) {
    %c0_i32 = arith.constant 0 : i32
    %c0_i32_0 = arith.constant 0 : i32
    return %arg0, %c0_i32 : i32, i32
  }
  func.func @transform_1(%arg0: i32) -> (i32, i32, i32) {
    %c0_i32 = arith.constant 0 : i32
    %c0_i32_0 = arith.constant 0 : i32
    %c0_i32_1 = arith.constant 0 : i32
    return %c0_i32, %arg0, %c0_i32_0 : i32, i32, i32
  }
  func.func @transform_2(%arg0: i32) -> (i32, i32) {
    %c0_i32 = arith.constant 0 : i32
    %c0_i32_0 = arith.constant 0 : i32
    return %arg0, %c0_i32 : i32, i32
  }
}

</mosaic_0001>

<sc_bundles>
// kernel: kernel.10.cloned.1.call-start
scs
__scs_entry_jumppad:
0x0: {  	(pc) =	sbr.rel $0x88, $3  }
0x1: {  	(tag) =	ssettag $0x0;
	lr =	simm.s32 $0x1  }
0x2: {  	[smem:$0x3F9D] =	sst lr;
	_ =	strace $0xD0000000  }
0x3: {  	_ = 	snop  }
0x4: {  	_ = 	snop  }
0x5: {  	_ = 	snop  }
0x6: {  	_ = 	snop  }
0x7: {  	_ = 	snop  }
__scs_overlays_trampoline_lowered:
0x8: {  	[smem:$0x3FAC] =	sst s0  }
0x9: {  	[smem:$0x3FAD] =	sst s1  }
0xa: {  	[smem:$0x3FAE] =	sst s2  }
0xb: {  	[smem:$0x3FAF] =	sst s3  }
0xc: {  	[smem:$0x3FB0] =	sst s4  }
0xd: {  	[smem:$0x3FB1] =	sst s5  }
0xe: {  	[smem:$0x3FB2] =	sst s6  }
0xf: {  	[smem:$0x3FB3] =	sst s7  }
0x10: {  	[smem:$0x3FB4] =	sst s8  }
0x11: {  	[smem:$0x3FB5] =	sst s9;
	s0 =	simm.s32 @!p0 $0x0  }
0x12: {  	s1 =	sld [smem:$0x3F9B];
	s0 =	simm.s32 @p0 $0x1  }
0x13: {  	[smem:$0x3FB6] =	sst s0;
	s0 =	simm.s32 @!p1 $0x0  }
0x14: {  	s2 =	sld [smem:$0x3F9A];
	s0 =	simm.s32 @p1 $0x1  }
0x15: {  	[smem:$0x3FB7] =	sst s0;
	s0 =	simm.s32 @!p2 $0x0  }
0x16: {  	s3 =	sld [smem:$0x3FDB];
	s0 =	simm.s32 @p2 $0x1  }
0x17: {  	s4 =	simm.s32 $0x1BF5;
	[smem:$0x3FB9] =	sst s0  }
0x18: {  	s0 =	sld [smem:$0x3F9C];
	_ =	swait.ge [sflag:s4], $0x0  }
0x19: {  	s7 =	sld [smem:$0x3F9D]  }
0x1a: {  	s8 =	sadd.s32 $0xFFFFE003, lr  }
0x1b: {  	s9 =	sadd.s32 $0xFFFFFEF7, lr;
	s5 =	simm.s32 $0xFFFFFFFF;
	p2 =	slt.u32 s8, $0xFFFFF086  }
0x1c: {  	p1 =	slt.u32 s9, $0xF7A;
	s5 =	simm.s32 @!p2 $0x0  }
0x1d: {  	s5 =	simm.s32 @p1 $0x1;
	p0 =	seq.s32 s7, s2  }
0x1e: {  	s7 =	smul.u32 @!p0 $0xF7A, s2;
	p2 =	seq.s32 @!p0 s5, $0x0  }
0x1f: {  	s9 =	smul.u32 $0xF7A, s1;
	s8 =	simm.s32 @!p0 $0x1BF5;
	p2 =	por !p2, p0  }
0x20: {  	[sflag:s8] =	ssyncset.s32 @!p0 $0xFFFFF086;
	s6 =	sadd.s32 @!p0 s3, s7;
	s7 =	simm.s32 @!p0 $0x108  }
0x21: {  	s3 =	sadd.s32 s3, s9;
	s6 =	sadd.s32 @!p0 $0x88, s6;
	s7 =	simm.s32 @p2 $0x1082  }
0x22: {  	[simem:s7], [sflag:s8] =	dma.local @!p0 [hbm:s6], $0xF7A  }
0x23: {  	s9 =	sor.u32 $0xD0000000, s2;
	s6 =	simm.s32 $0x108;
	_ =	swait.ge @!p0 [sflag:s8], $0x0  }
0x24: {  	s3 =	sadd.s32 $0x88, s3;
	s6 =	simm.s32 @!p1 $0x1082;
	[sflag:s4] =	ssyncset.s32 $0xFFFFF086  }
0x25: {  	[simem:s6], [sflag:s4] =	dma.local [hbm:s3], $0xF7A  }
0x26: {  	[smem:$0x3F9D] =	sst s1;
	(tag) =	ssettag s2;
	_ =	strace s9  }
0x27: {  	s1 =	sld [smem:$0x3FAD]  }
0x28: {  	s2 =	sld [smem:$0x3FAE]  }
0x29: {  	s4 =	sld [smem:$0x3FB0]  }
0x2a: {  	p0 =	seq.s32 s5, $0x0;
	s5 =	sld [smem:$0x3FB1]  }
0x2b: {  	s6 =	sld [smem:$0x3FB2]  }
0x2c: {  	s7 =	sld [smem:$0x3FB3]  }
0x2d: {  	s3 =	simm.s32 $0x108;
	s8 =	sld [smem:$0x3FB4]  }
0x2e: {  	s3 =	simm.s32 @!p0 $0x1082;
	s9 =	sld [smem:$0x3FB5]  }
0x2f: {  	lr =	sadd.s32 s0, s3;
	s0 =	sld [smem:$0x3FAC]  }
0x30: {  	s3 =	sld [smem:$0x3FAF]  }
0x31: {  	[smem:$0x3FB8] =	sst s10  }
0x32: {  	s10 =	sld [smem:$0x3FB6];
	_ =	sdelay $0x3  }
0x33: {  	p0 =	seq.s32 s10, $0x1;
	s10 =	sld [smem:$0x3FB8];
	_ =	sdelay $0x3  }
0x34: {  	[smem:$0x3FB8] =	sst s10  }
0x35: {  	s10 =	sld [smem:$0x3FB7];
	_ =	sdelay $0x3  }
0x36: {  	p1 =	seq.s32 s10, $0x1;
	s10 =	sld [smem:$0x3FB8];
	_ =	sdelay $0x3  }
0x37: {  	[smem:$0x3FB8] =	sst s10  }
0x38: {  	s10 =	sld [smem:$0x3FB9]  }
0x39: {  	_ = 	snop;
	(pc) =	sbr.ind lr, $3  }
0x3a: {  	_ = 	snop  }
0x3b: {  	_ = 	snop  }
0x3c: {  	p2 =	seq.s32 s10, $0x1;
	s10 =	sld [smem:$0x3FB8]  }
0x3d: {  	_ =	shalt  }
0x3e: {  	_ =	shalt  }
0x3f: {  	_ =	shalt  }
0x40: {  	_ =	shalt  }
0x41: {  	_ =	shalt  }
0x42: {  	_ =	shalt  }
0x43: {  	_ =	shalt  }
0x44: {  	_ =	shalt  }
0x45: {  	_ =	shalt  }
0x46: {  	_ =	shalt  }
0x47: {  	_ =	shalt  }
0x48: {  	_ =	shalt  }
0x49: {  	_ =	shalt  }
0x4a: {  	_ =	shalt  }
0x4b: {  	_ =	shalt  }
0x4c: {  	_ =	shalt  }
0x4d: {  	_ =	shalt  }
0x4e: {  	_ =	shalt  }
0x4f: {  	_ =	shalt  }
0x50: {  	_ =	shalt  }
0x51: {  	_ =	shalt  }
0x52: {  	_ =	shalt  }
0x53: {  	_ =	shalt  }
0x54: {  	_ =	shalt  }
0x55: {  	_ =	shalt  }
0x56: {  	_ =	shalt  }
0x57: {  	_ =	shalt  }
0x58: {  	_ =	shalt  }
0x59: {  	_ =	shalt  }
0x5a: {  	_ =	shalt  }
0x5b: {  	_ =	shalt  }
0x5c: {  	_ =	shalt  }
0x5d: {  	_ =	shalt  }
0x5e: {  	_ =	shalt  }
0x5f: {  	_ =	shalt  }
0x60: {  	_ =	shalt  }
0x61: {  	_ =	shalt  }
0x62: {  	_ =	shalt  }
0x63: {  	_ =	shalt  }
0x64: {  	_ =	shalt  }
0x65: {  	_ =	shalt  }
0x66: {  	_ =	shalt  }
0x67: {  	_ =	shalt  }
0x68: {  	_ =	shalt  }
0x69: {  	_ =	shalt  }
0x6a: {  	_ =	shalt  }
0x6b: {  	_ =	shalt  }
0x6c: {  	_ =	shalt  }
0x6d: {  	_ =	shalt  }
0x6e: {  	_ =	shalt  }
0x6f: {  	_ =	shalt  }
0x70: {  	_ =	shalt  }
0x71: {  	_ =	shalt  }
0x72: {  	_ =	shalt  }
0x73: {  	_ =	shalt  }
0x74: {  	_ =	shalt  }
0x75: {  	_ =	shalt  }
0x76: {  	_ =	shalt  }
0x77: {  	_ =	shalt  }
0x78: {  	_ =	shalt  }
0x79: {  	_ =	shalt  }
0x7a: {  	_ =	shalt  }
0x7b: {  	_ =	shalt  }
0x7c: {  	_ =	shalt  }
0x7d: {  	_ =	shalt  }
0x7e: {  	_ =	shalt  }
0x7f: {  	_ =	shalt  }
0x80: {  	_ =	shalt  }
0x81: {  	_ =	shalt  }
0x82: {  	_ =	shalt  }
0x83: {  	_ =	shalt  }
0x84: {  	_ =	shalt  }
0x85: {  	_ =	shalt  }
0x86: {  	_ =	shalt  }
0x87: {  	_ =	shalt  }
.Lfunc_end0:
.L_simem_size_0:
called_computation.1_lowered:
.L_overlay_start_0:
0x88: {  	s2 =	sld [smem:$0x3FD9]  }
0x89: {  	s3 =	sld [smem:$0x3FFE];
	_ =	sdelay $0x1  }
0x8a: {  	s1 =	srdreg.scid  }
0x8b: {  	s0 =	sand.u32 $0x1, s1  }
0x8c: {  	s17 =	sshll.u32 s0, $0xA;
	s2 =	sadd.s32 s3, s2  }
0x8d: {  	s2 =	sadd.s32 s2, s17  }
0x8e: {  	[smem:$0x3FC4] =	sst s2  }
0x8f: {  	_ = 	snop  }
0x90: {  	s2 =	sld [smem:$0x3FD0];
	(tm) =	ssettm $0x1  }
0x91: {  	s18 =	sld [smem:$0x3FFB];
	_ =	sdelay $0x3  }
0x92: {  	_ =	strace s18  }
0x93: {  	s3 =	sld [smem:$0x3FFC];
	_ =	sdelay $0x3  }
0x94: {  	_ =	strace s3  }
0x95: {  	s3 =	sld [smem:$0x3FFD];
	_ =	sdelay $0x3  }
0x96: {  	_ =	strace s3  }
0x97: {  	_ =	strace $0x8FFFFFFF  }
0x98: {  	s19 =	sld [smem:$0x3FDB];
	_ =	sdelay $0x1  }
0x99: {  	s4 =	simm.s32 $_scs_section_size  }
0x9a: {  	s5 =	simm.s32 $_size__tile_overlayer_lowered;
	s6 =	simm.s32 $_tile_overlayer_lowered  }
0x9b: {  	s22 =	simm.s32 $0x1BFF;
	s21 =	sshll.u32 s6, $0x1;
	s3 =	sadd.s32 s4, s19  }
0x9c: {  	s7 =	simm.s32 $0x0;
	s20 =	sshll.u32 s5, $0x1;
	s5 =	sadd.s32 s21, s3  }
0x9d: {  	[timem:s7], [sflag:s22] =	dma.local [hbm:s5], s20  }
0x9e: {  	_ =	swait.ge [sflag:s22], s20  }
0x9f: {  	s4 =	ssub.s32 $0x0, s20;
	[sflag:s22] =	ssyncset.done $0x0  }
0xa0: {  	[sflag:s22] =	ssyncadd.s32 s4;
	_ =	sdelay $0x1  }
0xa1: {  	s23 =	simm.s32 $0x1B8B  }
0xa2: {  	_ =	swait.ge [sflag:s23], $0x1  }
0xa3: {  	[sflag:s23] =	ssyncset.done $0x0  }
0xa4: {  	s25 =	simm.s32 $0x1B8E;
	s24 =	sld [smem:$0x3FFE];
	[sflag:s23] =	ssyncadd.s32 $0xFFFFFFFF  }
0xa5: {  	s26 =	simm.s32 $execute0_lowered;
	[smem:$0x3FD2] =	sst s25  }
0xa6: {  	s5 =	sshll.u32 s26, $0x1;
	_ =	strace $0x80000049;
	[dreg:$0x1] =	wrdreg $0xFFFFFFFF  }
0xa7: {  	s28 =	simm.s32 $_size_execute0_lowered;
	s3 =	sadd.s32 s3, s5;
	[dreg:$0x0] =	wrdreg $0x0  }
0xa8: {  	s5 =	sshll.u32 s28, $0x1;
	[dreg:$0x2] =	wrdreg s3  }
0xa9: {  	[dreg:$0x3] =	wrdreg s5  }
0xaa: {  	[dreg:$0x4] =	wrdreg $0xC0  }
0xab: {  	_ =	task [dreg:s7], $0x5FFFF  }
0xac: {  	[dreg:$0x1] =	wrdreg $0xFFFFFFFF  }
0xad: {  	[dreg:$0x0] =	wrdreg $0x60  }
0xae: {  	[dreg:$0x2] =	wrdreg s24  }
0xaf: {  	[dreg:$0x3] =	wrdreg s2  }
0xb0: {  	[dreg:$0x4] =	wrdreg $0x92000  }
0xb1: {  	[dreg:$0x5] =	wrdreg $0x9  }
0xb2: {  	_ =	task.clear_ibuf [dreg:s7], $0x6FFFF;
	_ =	strace $0x90000049  }
0xb3: {  	s29 =	simm.s32 $0x9;
	_ =	strace $0x8000004B  }
0xb4: {  	_ =	swait.ge [sflag:s29], $0x1  }
0xb5: {  	[sflag:s29] =	ssyncadd.s32 $0xFFFFFFFF  }
0xb6: {  	_ =	strace $0x9000004B  }
0xb7: {  	_ =	sfence  }
0xb8: {  	s30 =	sld [smem:$0x0];
	_ =	sdelay $0x2  }
0xb9: {  	s31 =	sshll.u32 s1, $0xD;
	s1 =	sshrl.u32 s1, $0x2  }
0xba: {  	s3 =	sand.u32 $0x4000, s31;
	s1 =	sadd.s32 s1, s30  }
0xbb: {  	s0 =	sor.u32 s3, s0;
	s1 =	sshll.u32 s1, $0x11  }
0xbc: {  	s0 =	sor.u32 s1, s0  }
0xbd: {  	s0 =	sadd.s32 $0x8F2B, s0  }
0xbe: {  	[sflag:s0] =	ssyncadd.remote.s32 $0x1  }
0xbf: {  	_ =	sfence.sel $0xFFFF  }
0xc0: {  	[dreg:$0x0] =	wrdreg $0xFFFFFFFF;
	(pc) =	sbr.abs _section_cstart, $3  }
0xc1: {  	[dreg:$0x1] =	wrdreg $0xFFFFFFFF  }
0xc2: {  	_ =	task.clear_ibuf [dreg:s7], $0x2FFFF;
	_ =	strace $0x9FFFFFFF  }
0xc3: {  	(tm) =	ssettm $0x7FFFFFFF  }
tec
execute0_lowered:
.L_overlay_start_1:
0x0: {  	(tag) =	ssettag $0x1  }
0x1: {  	s5 =	rddreg [dreg:$0x0]  }
0x2: {  	s2 =	rddreg [dreg:$0x1]  }
0x3: {  	s3 =	rddreg [dreg:$0x2]  }
0x4: {  	s0 =	rddreg [dreg:$0x3]  }
0x5: {  	s6 =	srdreg.scid;
	s1 =	stileid.u32  }
0x6: {  	s4 =	simm.s32 $0x0;
	s12 =	simm.s32 $0x50;
	s13 =	simm.s32 $0x4000  }
0x7: {  	s14 =	simm.s32 $0x4200;
	s15 =	simm.s32 $0x4080;
	s16 =	simm.s32 $0x6A00  }
0x8: {  	s17 =	simm.s32 $0x1;
	s18 =	simm.s32 $0x4100;
	s19 =	simm.s32 $0x2  }
0x9: {  	s20 =	simm.s32 $0x4180;
	s21 =	simm.s32 $0x0;
	s7 =	smul.u32 $0x14000, s1  }
0xa: {  	s6 =	sand.u32 $0x1, s6;
	[smem:$0x7FF] =	sst s4;
	s11 =	smul.u32 $0x50000, s1  }
0xb: {  	s26 =	sshll.u32 s1, $0xC;
	s31 =	sshll.u32 s1, $0x6;
	s8 =	smul.u32 $0x140000, s6  }
0xc: {  	_ =	strace $0x8000004A;
	s9 =	sshll.u32 s6, $0xB;
	s6 =	ssub.s32 $0x2, s6  }
0xd: {  	s10 =	sshrl.u32 s7, $0x3;
	s24 =	sadd.s32 s9, s5;
	s28 =	sshrl.u32 s6, $0x1  }
0xe: {  	s30 =	sshrl.u32 s11, $0x2;
	s9 =	simm.s32 $0x3;
	s7 =	sadd.s32 s7, s8  }
0xf: {  	s25 =	sadd.s32 s10, s5;
	s8 =	sadd.s32 s26, s24;
	s29 =	ssub.s32 s6, s28  }
0x10: {  	s11 =	sadd.s32 s30, s3;
	s10 =	sor.u32 $0x1C03, s31;
	s7 =	sshrl.u32 s7, $0x3  }
0x11: {  	s6 =	sadd.s32 $0x1C00, s25;
	s11 =	sshrl.u32 s11, $0x3;
	s7 =	sadd.s32 s7, s5  }
0x12: {  	s5 =	sadd.s32 $0x79C00, s8;
	s8 =	smax.u32 s29, $0x1;
	s7 =	sadd.s32 $0x89C00, s7  }
.LBB2_1:
0x13: {  	[tilespmem:s4], [sflag:$0x3] =	stream.linear.gather [hbm4b:s5+s4], $0x3E80, $0x38;
	[tilespmem:$0x1D200] =	vst v63  }
0x14: {  	_ =	swait.ge [sflag:s9], $0x3E80  }
0x15: {  	[sflag:s9] =	ssyncset.done $0x0  }
0x16: {  	[sflag:s9] =	ssyncadd.s32 $0xFFFFC180  }
0x17: {  	[spmem:s11], [sflag:s10] =	dma.local [hbm:s6], $0x2800  }
0x18: {  	_ =	swait.ge [sflag:s9], $0x2800  }
0x19: {  	[sflag:s9] =	ssyncset.done $0x0  }
0x1a: {  	[sflag:s9] =	ssyncadd.s32 $0xFFFFD800  }
0x1b: {  	v0 =	vld [tilespmem:$0x0];
	_ =	sdelay $0x1  }
0x1c: {  	v1 =	vld [tilespmem:$0x10];
	_ =	sdelay $0x1  }
0x1d: {  	v2 =	vld [tilespmem:$0x20]  }
0x1e: {  	v3 =	vand.u32 $0x3FFF, v0  }
0x1f: {  	v0 =	vshra.s32 v0, $0xE;
	[tilespmem:$0x4000] =	vst v3;
	v3 =	vld [tilespmem:$0x30]  }
0x20: {  	[tilespmem:$0x4100] =	vst v0;
	v0 =	vand.u32 $0x3FFF, v1  }
0x21: {  	[tilespmem:$0x4010] =	vst v0;
	v0 =	vshra.s32 v1, $0xE;
	v1 =	vld [tilespmem:$0x40]  }
0x22: {  	[tilespmem:$0x4110] =	vst v0;
	v0 =	vand.u32 $0x3FFF, v2  }
0x23: {  	[tilespmem:$0x4020] =	vst v0;
	v0 =	vshra.s32 v2, $0xE;
	v2 =	vld [tilespmem:$0x80]  }
0x24: {  	[tilespmem:$0x4120] =	vst v0;
	v0 =	vand.u32 $0x3FFF, v3  }
0x25: {  	[tilespmem:$0x4030] =	vst v0;
	v0 =	vshra.s32 v3, $0xE;
	v3 =	vld [tilespmem:$0x90]  }
0x26: {  	[tilespmem:$0x4130] =	vst v0;
	v0 =	vand.u32 $0x3FFF, v1  }
0x27: {  	[tilespmem:$0x4040] =	vst v0;
	v0 =	vshra.s32 v1, $0xE;
	v1 =	vld [tilespmem:$0xA0]  }
0x28: {  	[tilespmem:$0x4140] =	vst v0;
	v0 =	vand.u32 $0x3FFF, v2  }
0x29: {  	[tilespmem:$0x4080] =	vst v0;
	v0 =	vshra.s32 v2, $0xE;
	v2 =	vld [tilespmem:$0xB0]  }
0x2a: {  	[tilespmem:$0x4180] =	vst v0;
	v0 =	vand.u32 $0x3FFF, v3  }
0x2b: {  	[tilespmem:$0x4090] =	vst v0;
	v0 =	vshra.s32 v3, $0xE;
	v3 =	vld [tilespmem:$0xC0]  }
0x2c: {  	[tilespmem:$0x4190] =	vst v0;
	v0 =	vand.u32 $0x3FFF, v1  }
0x2d: {  	[tilespmem:$0x40A0] =	vst v0;
	v0 =	vshra.s32 v1, $0xE  }
0x2e: {  	[tilespmem:$0x41A0] =	vst v0;
	v0 =	vand.u32 $0x3FFF, v2  }
0x2f: {  	[tilespmem:$0x40B0] =	vst v0;
	v0 =	vshra.s32 v2, $0xE  }
0x30: {  	[tilespmem:$0x41B0] =	vst v0;
	v0 =	vand.u32 $0x3FFF, v3  }
0x31: {  	[tilespmem:$0x40C0] =	vst v0;
	v0 =	vshra.s32 v3, $0xE  }
0x32: {  	[tilespmem:$0x41C0] =	vst v0  }
0x33: {  	[bflag:$0x0] =	sbarrier.arrive $0xFFFF  }
0x34: {  	[tilespmem:s14], [sflag:$0x1] =	stream.indirect.gather [hbm4b:s2+s12], $0x80, s13, s12, $0xb8;
	[tilespmem:$0x1D200] =	vst v63  }
0x35: {  	_ = 	snop  }
0x36: {  	[tilespmem:s16], [sflag:$0x2] =	stream.indirect.gather [hbm4b:s2+s12], $0x80, s15, s12, $0xb8;
	[tilespmem:$0x1D200] =	vst v63  }
0x37: {  	_ =	swait.ge [sflag:s17], $0x2800  }
0x38: {  	[sflag:s17] =	ssyncset.done $0x0  }
0x39: {  	[sflag:s17] =	ssyncadd.s32 $0xFFFFD800  }
0x3a: {  	[spmem:s3] =	stream.indirect.scatter.add.f32 [tilespmem:s14], [sflag:$0x3], $0x80, s18, s12, $0xb8;
	[tilespmem:$0x1D200] =	vst v63  }
0x3b: {  	_ =	swait.ge [sflag:s9], $0x2800  }
0x3c: {  	[sflag:s9] =	ssyncset.done $0x0  }
0x3d: {  	s22 =	simm.s32 $0x0;
	[sflag:s9] =	ssyncadd.s32 $0xFFFFD800  }
0x3e: {  	v0 =	vld [tilespmem:s22+$0x100];
	_ =	sdelay $0x4  }
0x3f: {  	v1 =	vand.u32 $0x3FFF, v0  }
0x40: {  	v0 =	vshra.s32 v0, $0xE;
	[tilespmem:$0x4000] =	vst v1  }
0x41: {  	[tilespmem:$0x4100] =	vst v0  }
0x42: {  	v0 =	vld [tilespmem:s22+$0x110];
	_ =	sdelay $0x4  }
0x43: {  	v1 =	vand.u32 $0x3FFF, v0  }
0x44: {  	v0 =	vshra.s32 v0, $0xE;
	[tilespmem:$0x4010] =	vst v1  }
0x45: {  	[tilespmem:$0x4110] =	vst v0  }
0x46: {  	v0 =	vld [tilespmem:s22+$0x120];
	_ =	sdelay $0x4  }
0x47: {  	v1 =	vand.u32 $0x3FFF, v0  }
0x48: {  	v0 =	vshra.s32 v0, $0xE;
	[tilespmem:$0x4020] =	vst v1  }
0x49: {  	[tilespmem:$0x4120] =	vst v0  }
0x4a: {  	v0 =	vld [tilespmem:s22+$0x130];
	_ =	sdelay $0x4  }
0x4b: {  	v1 =	vand.u32 $0x3FFF, v0  }
0x4c: {  	v0 =	vshra.s32 v0, $0xE;
	[tilespmem:$0x4030] =	vst v1  }
0x4d: {  	[tilespmem:$0x4130] =	vst v0  }
0x4e: {  	v0 =	vld [tilespmem:s22+$0x140];
	_ =	sdelay $0x4  }
0x4f: {  	v1 =	vand.u32 $0x3FFF, v0  }
0x50: {  	v0 =	vshra.s32 v0, $0xE;
	[tilespmem:$0x4040] =	vst v1  }
0x51: {  	[tilespmem:$0x4140] =	vst v0  }
0x52: {  	[tilespmem:s14], [sflag:$0x1] =	stream.indirect.gather [hbm4b:s2+s12], $0x80, s13, s12, $0xb8;
	[tilespmem:$0x1D200] =	vst v63  }
0x53: {  	_ =	swait.ge [sflag:s19], $0x2800  }
0x54: {  	[sflag:s19] =	ssyncset.done $0x0  }
0x55: {  	[sflag:s19] =	ssyncadd.s32 $0xFFFFD800  }
0x56: {  	[spmem:s3] =	stream.indirect.scatter.add.f32 [tilespmem:s16], [sflag:$0x3], $0x80, s20, s12, $0xb8;
	[tilespmem:$0x1D200] =	vst v63  }
0x57: {  	_ =	swait.ge [sflag:s9], $0x2800  }
0x58: {  	[sflag:s9] =	ssyncset.done $0x0  }
0x59: {  	[sflag:s9] =	ssyncadd.s32 $0xFFFFD800  }
0x5a: {  	v0 =	vld [tilespmem:s22+$0x180];
	_ =	sdelay $0x4  }
0x5b: {  	v1 =	vand.u32 $0x3FFF, v0  }
0x5c: {  	v0 =	vshra.s32 v0, $0xE;
	[tilespmem:$0x4080] =	vst v1  }
0x5d: {  	[tilespmem:$0x4180] =	vst v0  }
0x5e: {  	v0 =	vld [tilespmem:s22+$0x190];
	_ =	sdelay $0x4  }
0x5f: {  	v1 =	vand.u32 $0x3FFF, v0  }
0x60: {  	v0 =	vshra.s32 v0, $0xE;
	[tilespmem:$0x4090] =	vst v1  }
0x61: {  	[tilespmem:$0x4190] =	vst v0  }
0x62: {  	v0 =	vld [tilespmem:s22+$0x1A0];
	_ =	sdelay $0x4  }
0x63: {  	v1 =	vand.u32 $0x3FFF, v0  }
0x64: {  	v0 =	vshra.s32 v0, $0xE;
	[tilespmem:$0x40A0] =	vst v1  }
0x65: {  	[tilespmem:$0x41A0] =	vst v0  }
0x66: {  	s23 =	simm.s32 $0x400;
	v0 =	vld [tilespmem:s22+$0x1B0]  }
.LBB2_2:
0x67: {  	_ =	sdelay $0x3  }
0x68: {  	p0 =	sne.s32 s23, $0xF000;
	s24 =	smov.u32 s23;
	s23 =	sadd.s32 $0x400, s23;
	v1 =	vand.u32 $0x3FFF, v0;
	v0 =	vshra.s32 v0, $0xE  }
0x69: {  	[tilespmem:$0x40B0] =	vst v1  }
0x6a: {  	[tilespmem:$0x41B0] =	vst v0  }
0x6b: {  	v0 =	vld [tilespmem:s22+$0x1C0];
	_ =	sdelay $0x4  }
0x6c: {  	v1 =	vand.u32 $0x3FFF, v0;
	v0 =	vshra.s32 v0, $0xE  }
0x6d: {  	[tilespmem:$0x40C0] =	vst v1  }
0x6e: {  	[tilespmem:$0x41C0] =	vst v0  }
0x6f: {  	[tilespmem:s16], [sflag:$0x2] =	stream.indirect.gather [hbm4b:s2+s12], $0x80, s15, s12, $0xb8;
	[tilespmem:$0x1D200] =	vst v63  }
0x70: {  	_ =	swait.ge [sflag:s17], $0x2800  }
0x71: {  	[sflag:s17] =	ssyncset.done $0x0  }
0x72: {  	[sflag:s17] =	ssyncadd.s32 $0xFFFFD800  }
0x73: {  	[spmem:s3] =	stream.indirect.scatter.add.f32 [tilespmem:s14], [sflag:$0x3], $0x80, s18, s12, $0xb8;
	[tilespmem:$0x1D200] =	vst v63  }
0x74: {  	_ =	swait.ge [sflag:s9], $0x2800  }
0x75: {  	[sflag:s9] =	ssyncset.done $0x0  }
0x76: {  	s22 =	sshra.s32 s24, $0x2;
	[sflag:s9] =	ssyncadd.s32 $0xFFFFD800  }
0x77: {  	v0 =	vld [tilespmem:s22+$0x100];
	_ =	sdelay $0x4  }
0x78: {  	v1 =	vand.u32 $0x3FFF, v0;
	v0 =	vshra.s32 v0, $0xE  }
0x79: {  	[tilespmem:$0x4000] =	vst v1  }
0x7a: {  	[tilespmem:$0x4100] =	vst v0  }
0x7b: {  	v0 =	vld [tilespmem:s22+$0x110];
	_ =	sdelay $0x4  }
0x7c: {  	v1 =	vand.u32 $0x3FFF, v0;
	v0 =	vshra.s32 v0, $0xE  }
0x7d: {  	[tilespmem:$0x4010] =	vst v1  }
0x7e: {  	[tilespmem:$0x4110] =	vst v0  }
0x7f: {  	v0 =	vld [tilespmem:s22+$0x120];
	_ =	sdelay $0x4  }
0x80: {  	v1 =	vand.u32 $0x3FFF, v0;
	v0 =	vshra.s32 v0, $0xE  }
0x81: {  	[tilespmem:$0x4020] =	vst v1  }
0x82: {  	[tilespmem:$0x4120] =	vst v0  }
0x83: {  	v0 =	vld [tilespmem:s22+$0x130];
	_ =	sdelay $0x4  }
0x84: {  	v1 =	vand.u32 $0x3FFF, v0;
	v0 =	vshra.s32 v0, $0xE  }
0x85: {  	[tilespmem:$0x4030] =	vst v1  }
0x86: {  	[tilespmem:$0x4130] =	vst v0  }
0x87: {  	v0 =	vld [tilespmem:s22+$0x140];
	_ =	sdelay $0x4  }
0x88: {  	v1 =	vand.u32 $0x3FFF, v0;
	v0 =	vshra.s32 v0, $0xE  }
0x89: {  	[tilespmem:$0x4040] =	vst v1  }
0x8a: {  	[tilespmem:$0x4140] =	vst v0  }
0x8b: {  	[tilespmem:s14], [sflag:$0x1] =	stream.indirect.gather [hbm4b:s2+s12], $0x80, s13, s12, $0xb8;
	[tilespmem:$0x1D200] =	vst v63  }
0x8c: {  	_ =	swait.ge [sflag:s19], $0x2800  }
0x8d: {  	[sflag:s19] =	ssyncset.done $0x0  }
0x8e: {  	[sflag:s19] =	ssyncadd.s32 $0xFFFFD800  }
0x8f: {  	[spmem:s3] =	stream.indirect.scatter.add.f32 [tilespmem:s16], [sflag:$0x3], $0x80, s20, s12, $0xb8;
	[tilespmem:$0x1D200] =	vst v63  }
0x90: {  	_ =	swait.ge [sflag:s9], $0x2800  }
0x91: {  	[sflag:s9] =	ssyncset.done $0x0  }
0x92: {  	[sflag:s9] =	ssyncadd.s32 $0xFFFFD800  }
0x93: {  	v0 =	vld [tilespmem:s22+$0x180];
	_ =	sdelay $0x4  }
0x94: {  	v1 =	vand.u32 $0x3FFF, v0;
	v0 =	vshra.s32 v0, $0xE  }
0x95: {  	[tilespmem:$0x4080] =	vst v1  }
0x96: {  	[tilespmem:$0x4180] =	vst v0  }
0x97: {  	v0 =	vld [tilespmem:s22+$0x190];
	_ =	sdelay $0x4  }
0x98: {  	v1 =	vand.u32 $0x3FFF, v0;
	v0 =	vshra.s32 v0, $0xE  }
0x99: {  	[tilespmem:$0x4090] =	vst v1  }
0x9a: {  	[tilespmem:$0x4190] =	vst v0  }
0x9b: {  	v0 =	vld [tilespmem:s22+$0x1A0];
	_ =	sdelay $0x3  }
.Ltmp0:
0x9c: {  	(pc) =	sbr.rel @p0 .LBB2_2-.Ltmp0, $4  }
0x9d: {  	v1 =	vand.u32 $0x3FFF, v0;
	v0 =	vshra.s32 v0, $0xE  }
0x9e: {  	[tilespmem:$0x40A0] =	vst v1  }
0x9f: {  	[tilespmem:$0x41A0] =	vst v0  }
0xa0: {  	v0 =	vld [tilespmem:s22+$0x1B0]  }
0xa1: {  	_ =	sdelay $0x3  }
0xa2: {  	v1 =	vand.u32 $0x3FFF, v0  }
0xa3: {  	v36 =	vshra.s32 v0, $0xE;
	[tilespmem:$0x40B0] =	vst v1  }
0xa4: {  	[tilespmem:$0x41B0] =	vst v36  }
0xa5: {  	v0 =	vld [tilespmem:s22+$0x1C0];
	_ =	sdelay $0x4  }
0xa6: {  	v37 =	vand.u32 $0x3FFF, v0  }
0xa7: {  	v0 =	vshra.s32 v0, $0xE;
	[tilespmem:$0x40C0] =	vst v37  }
0xa8: {  	[tilespmem:$0x41C0] =	vst v0  }
0xa9: {  	[tilespmem:s16], [sflag:$0x2] =	stream.indirect.gather [hbm4b:s2+s12], $0x80, s15, s12, $0xb8;
	[tilespmem:$0x1D200] =	vst v63  }
0xaa: {  	_ =	swait.ge [sflag:s17], $0x2800  }
0xab: {  	[sflag:s17] =	ssyncset.done $0x0  }
0xac: {  	[sflag:s17] =	ssyncadd.s32 $0xFFFFD800  }
0xad: {  	[spmem:s3] =	stream.indirect.scatter.add.f32 [tilespmem:s14], [sflag:$0x3], $0x80, s18, s12, $0xb8;
	[tilespmem:$0x1D200] =	vst v63  }
0xae: {  	_ =	swait.ge [sflag:s9], $0x2800  }
0xaf: {  	[sflag:s9] =	ssyncset.done $0x0  }
0xb0: {  	[sflag:s9] =	ssyncadd.s32 $0xFFFFD800  }
0xb1: {  	v38 =	vld [tilespmem:$0x3E00];
	_ =	sdelay $0x1  }
0xb2: {  	v39 =	vld [tilespmem:$0x3E10];
	_ =	sdelay $0x1  }
0xb3: {  	v2 =	vld [tilespmem:$0x3E20]  }
0xb4: {  	v3 =	vand.u32 $0x3FFF, v38  }
0xb5: {  	v40 =	vld [tilespmem:$0x3E30];
	v0 =	vshra.s32 v38, $0xE;
	[tilespmem:$0x4000] =	vst v3  }
0xb6: {  	v41 =	vand.u32 $0x3FFF, v39;
	[tilespmem:$0x4100] =	vst v0  }
0xb7: {  	v43 =	vld [tilespmem:$0x3E40];
	v42 =	vshra.s32 v39, $0xE;
	[tilespmem:$0x4010] =	vst v41  }
0xb8: {  	v44 =	vand.u32 $0x3FFF, v2;
	[tilespmem:$0x4110] =	vst v42  }
0xb9: {  	v45 =	vshra.s32 v2, $0xE;
	[tilespmem:$0x4020] =	vst v44  }
0xba: {  	v46 =	vand.u32 $0x3FFF, v40;
	[tilespmem:$0x4120] =	vst v45  }
0xbb: {  	v47 =	vshra.s32 v40, $0xE;
	[tilespmem:$0x4030] =	vst v46  }
0xbc: {  	v48 =	vand.u32 $0x3FFF, v43;
	[tilespmem:$0x4130] =	vst v47  }
0xbd: {  	v49 =	vshra.s32 v43, $0xE;
	[tilespmem:$0x4040] =	vst v48  }
0xbe: {  	[tilespmem:$0x4140] =	vst v49  }
0xbf: {  	[tilespmem:s14], [sflag:$0x1] =	stream.indirect.gather [hbm4b:s2+s12], $0x80, s13, s12, $0xb8;
	[tilespmem:$0x1D200] =	vst v63  }
0xc0: {  	_ =	swait.ge [sflag:s19], $0x2800  }
0xc1: {  	[sflag:s19] =	ssyncset.done $0x0  }
0xc2: {  	[sflag:s19] =	ssyncadd.s32 $0xFFFFD800  }
0xc3: {  	[spmem:s3] =	stream.indirect.scatter.add.f32 [tilespmem:s16], [sflag:$0x3], $0x80, s20, s12, $0xb8;
	[tilespmem:$0x1D200] =	vst v63  }
0xc4: {  	_ =	swait.ge [sflag:s9], $0x2800  }
0xc5: {  	[sflag:s9] =	ssyncset.done $0x0  }
0xc6: {  	[sflag:s9] =	ssyncadd.s32 $0xFFFFD800  }
0xc7: {  	v50 =	vld [tilespmem:$0x3E00];
	_ =	sdelay $0x1  }
0xc8: {  	v51 =	vld [tilespmem:$0x3E10];
	_ =	sdelay $0x1  }
0xc9: {  	v52 =	vld [tilespmem:$0x3E20]  }
0xca: {  	v53 =	vand.u32 $0x3FFF, v50  }
0xcb: {  	v54 =	vld [tilespmem:$0x3E30];
	v0 =	vshra.s32 v50, $0xE;
	[tilespmem:$0x4080] =	vst v53  }
0xcc: {  	v55 =	vand.u32 $0x3FFF, v51;
	[tilespmem:$0x4180] =	vst v0  }
0xcd: {  	v57 =	vld [tilespmem:$0x3E40];
	v56 =	vshra.s32 v51, $0xE;
	[tilespmem:$0x4090] =	vst v55  }
0xce: {  	v58 =	vand.u32 $0x3FFF, v52;
	[tilespmem:$0x4190] =	vst v56  }
0xcf: {  	v59 =	vshra.s32 v52, $0xE;
	[tilespmem:$0x40A0] =	vst v58  }
0xd0: {  	v60 =	vand.u32 $0x3FFF, v54;
	[tilespmem:$0x41A0] =	vst v59  }
0xd1: {  	v61 =	vshra.s32 v54, $0xE;
	[tilespmem:$0x40B0] =	vst v60  }
0xd2: {  	v62 =	vand.u32 $0x3FFF, v57;
	[tilespmem:$0x41B0] =	vst v61  }
0xd3: {  	v63 =	vshra.s32 v57, $0xE;
	[tilespmem:$0x40C0] =	vst v62  }
0xd4: {  	[tilespmem:$0x41C0] =	vst v63  }
0xd5: {  	_ =	swait.ge [sflag:s17], $0x2800  }
0xd6: {  	[sflag:s17] =	ssyncset.done $0x0  }
0xd7: {  	[sflag:s17] =	ssyncadd.s32 $0xFFFFD800  }
0xd8: {  	[spmem:s3] =	stream.indirect.scatter.add.f32 [tilespmem:s14], [sflag:$0x3], $0x80, s18, s12, $0xb8;
	[tilespmem:$0x1D200] =	vst v63  }
0xd9: {  	_ =	swait.ge [sflag:s9], $0x2800  }
0xda: {  	s21 =	sadd.s32 $0x1, s21;
	[sflag:s9] =	ssyncset.done $0x0  }
0xdb: {  	p0 =	sne.s32 s21, s8;
	[sflag:s9] =	ssyncadd.s32 $0xFFFFD800  }
.Ltmp1:
0xdc: {  	[bflag:$0x0] =	sbarrier.arrive $0xFFFF;
	(pc) =	sbr.rel @p0 .LBB2_1-.Ltmp1, $4  }
0xdd: {  	[hbm:s7], [sflag:s10] =	dma.local [spmem:s11], $0x2800  }
0xde: {  	_ =	swait.ge [sflag:s9], $0x2800  }
0xdf: {  	[sflag:s9] =	ssyncset.done $0x0  }
0xe0: {  	[sflag:s9] =	ssyncadd.s32 $0xFFFFD800  }
0xe1: {  	_ =	sfence.sel $0x180000  }
0xe2: {  	[bflag:$0x0] =	sbarrier.arrive $0xFFFF  }
0xe3: {  	p0 =	sne.s32 s1, $0x0;
	_ =	strace $0x9000004A  }
0xe4: {  	s0 =	sadd.s32 @!p0 $0x100000, s0;
	[bflag:$0x2] =	sbarrier.arrive $0xFFFF  }
0xe5: {  	[sflag:s0] =	ssyncadd.tile.s32 @!p0 $0x1;
	_ =	shalt  }
.Lfunc_end2:
_tile_overlayer_lowered:
.L_overlay_start_2:
0xe6: {  	(tag) =	ssettag $0x2  }
0xe7: {  	s0 =	rddreg [dreg:$0x0];
	s2 =	stileid.u32  }
0xe8: {  	s1 =	rddreg [dreg:$0x1];
	p0 =	sne.s32 s2, $0x0  }
0xe9: {  	s3 =	rddreg [dreg:$0x2];
	[bflag:$0x3] =	sbarrier.arrive $0xFFFF;
	s2 =	simm.s32 @!p0 $0x1C03  }
0xea: {  	[timem:s3], [sflag:s2] =	dma.local @!p0 [hbm:s0], s1  }
0xeb: {  	s0 =	simm.s32 @!p0 $0x3  }
0xec: {  	_ =	swait.ge @!p0 [sflag:s0], s1  }
0xed: {  	s1 =	ssub.s32 @!p0 $0x0, s1;
	[sflag:s0] =	ssyncset.done @!p0 $0x0  }
0xee: {  	[sflag:s0] =	ssyncadd.s32 @!p0 s1  }
0xef: {  	[bflag:$0x3] =	sbarrier.arrive $0xFFFF  }
0xf0: {  	_ =	shalt  }

// kernel: kernel.7.cloned.1.call-start
scs
__scs_entry_jumppad:
0x0: {  	(pc) =	sbr.rel $0x88, $3  }
0x1: {  	(tag) =	ssettag $0x0;
	lr =	simm.s32 $0x1  }
0x2: {  	[smem:$0x3F9D] =	sst lr;
	_ =	strace $0xD0000000  }
0x3: {  	_ = 	snop  }
0x4: {  	_ = 	snop  }
0x5: {  	_ = 	snop  }
0x6: {  	_ = 	snop  }
0x7: {  	_ = 	snop  }
__scs_overlays_trampoline_lowered:
0x8: {  	[smem:$0x3FAC] =	sst s0  }
0x9: {  	[smem:$0x3FAD] =	sst s1  }
0xa: {  	[smem:$0x3FAE] =	sst s2  }
0xb: {  	[smem:$0x3FAF] =	sst s3  }
0xc: {  	[smem:$0x3FB0] =	sst s4  }
0xd: {  	[smem:$0x3FB1] =	sst s5  }
0xe: {  	[smem:$0x3FB2] =	sst s6  }
0xf: {  	[smem:$0x3FB3] =	sst s7  }
0x10: {  	[smem:$0x3FB4] =	sst s8  }
0x11: {  	[smem:$0x3FB5] =	sst s9;
	s0 =	simm.s32 @!p0 $0x0  }
0x12: {  	s1 =	sld [smem:$0x3F9B];
	s0 =	simm.s32 @p0 $0x1  }
0x13: {  	[smem:$0x3FB6] =	sst s0;
	s0 =	simm.s32 @!p1 $0x0  }
0x14: {  	s2 =	sld [smem:$0x3F9A];
	s0 =	simm.s32 @p1 $0x1  }
0x15: {  	[smem:$0x3FB7] =	sst s0;
	s0 =	simm.s32 @!p2 $0x0  }
0x16: {  	s3 =	sld [smem:$0x3FDB];
	s0 =	simm.s32 @p2 $0x1  }
0x17: {  	s4 =	simm.s32 $0x1BF5;
	[smem:$0x3FB9] =	sst s0  }
0x18: {  	s0 =	sld [smem:$0x3F9C];
	_ =	swait.ge [sflag:s4], $0x0  }
0x19: {  	s7 =	sld [smem:$0x3F9D]  }
0x1a: {  	s8 =	sadd.s32 $0xFFFFE003, lr  }
0x1b: {  	s9 =	sadd.s32 $0xFFFFFEF7, lr;
	s5 =	simm.s32 $0xFFFFFFFF;
	p2 =	slt.u32 s8, $0xFFFFF086  }
0x1c: {  	p1 =	slt.u32 s9, $0xF7A;
	s5 =	simm.s32 @!p2 $0x0  }
0x1d: {  	s5 =	simm.s32 @p1 $0x1;
	p0 =	seq.s32 s7, s2  }
0x1e: {  	s7 =	smul.u32 @!p0 $0xF7A, s2;
	p2 =	seq.s32 @!p0 s5, $0x0  }
0x1f: {  	s9 =	smul.u32 $0xF7A, s1;
	s8 =	simm.s32 @!p0 $0x1BF5;
	p2 =	por !p2, p0  }
0x20: {  	[sflag:s8] =	ssyncset.s32 @!p0 $0xFFFFF086;
	s6 =	sadd.s32 @!p0 s3, s7;
	s7 =	simm.s32 @!p0 $0x108  }
0x21: {  	s3 =	sadd.s32 s3, s9;
	s6 =	sadd.s32 @!p0 $0x88, s6;
	s7 =	simm.s32 @p2 $0x1082  }
0x22: {  	[simem:s7], [sflag:s8] =	dma.local @!p0 [hbm:s6], $0xF7A  }
0x23: {  	s9 =	sor.u32 $0xD0000000, s2;
	s6 =	simm.s32 $0x108;
	_ =	swait.ge @!p0 [sflag:s8], $0x0  }
0x24: {  	s3 =	sadd.s32 $0x88, s3;
	s6 =	simm.s32 @!p1 $0x1082;
	[sflag:s4] =	ssyncset.s32 $0xFFFFF086  }
0x25: {  	[simem:s6], [sflag:s4] =	dma.local [hbm:s3], $0xF7A  }
0x26: {  	[smem:$0x3F9D] =	sst s1;
	(tag) =	ssettag s2;
	_ =	strace s9  }
0x27: {  	s1 =	sld [smem:$0x3FAD]  }
0x28: {  	s2 =	sld [smem:$0x3FAE]  }
0x29: {  	s4 =	sld [smem:$0x3FB0]  }
0x2a: {  	p0 =	seq.s32 s5, $0x0;
	s5 =	sld [smem:$0x3FB1]  }
0x2b: {  	s6 =	sld [smem:$0x3FB2]  }
0x2c: {  	s7 =	sld [smem:$0x3FB3]  }
0x2d: {  	s3 =	simm.s32 $0x108;
	s8 =	sld [smem:$0x3FB4]  }
0x2e: {  	s3 =	simm.s32 @!p0 $0x1082;
	s9 =	sld [smem:$0x3FB5]  }
0x2f: {  	lr =	sadd.s32 s0, s3;
	s0 =	sld [smem:$0x3FAC]  }
0x30: {  	s3 =	sld [smem:$0x3FAF]  }
0x31: {  	[smem:$0x3FB8] =	sst s10  }
0x32: {  	s10 =	sld [smem:$0x3FB6];
	_ =	sdelay $0x3  }
0x33: {  	p0 =	seq.s32 s10, $0x1;
	s10 =	sld [smem:$0x3FB8];
	_ =	sdelay $0x3  }
0x34: {  	[smem:$0x3FB8] =	sst s10  }
0x35: {  	s10 =	sld [smem:$0x3FB7];
	_ =	sdelay $0x3  }
0x36: {  	p1 =	seq.s32 s10, $0x1;
	s10 =	sld [smem:$0x3FB8];
	_ =	sdelay $0x3  }
0x37: {  	[smem:$0x3FB8] =	sst s10  }
0x38: {  	s10 =	sld [smem:$0x3FB9]  }
0x39: {  	_ = 	snop;
	(pc) =	sbr.ind lr, $3  }
0x3a: {  	_ = 	snop  }
0x3b: {  	_ = 	snop  }
0x3c: {  	p2 =	seq.s32 s10, $0x1;
	s10 =	sld [smem:$0x3FB8]  }
0x3d: {  	_ =	shalt  }
0x3e: {  	_ =	shalt  }
0x3f: {  	_ =	shalt  }
0x40: {  	_ =	shalt  }
0x41: {  	_ =	shalt  }
0x42: {  	_ =	shalt  }
0x43: {  	_ =	shalt  }
0x44: {  	_ =	shalt  }
0x45: {  	_ =	shalt  }
0x46: {  	_ =	shalt  }
0x47: {  	_ =	shalt  }
0x48: {  	_ =	shalt  }
0x49: {  	_ =	shalt  }
0x4a: {  	_ =	shalt  }
0x4b: {  	_ =	shalt  }
0x4c: {  	_ =	shalt  }
0x4d: {  	_ =	shalt  }
0x4e: {  	_ =	shalt  }
0x4f: {  	_ =	shalt  }
0x50: {  	_ =	shalt  }
0x51: {  	_ =	shalt  }
0x52: {  	_ =	shalt  }
0x53: {  	_ =	shalt  }
0x54: {  	_ =	shalt  }
0x55: {  	_ =	shalt  }
0x56: {  	_ =	shalt  }
0x57: {  	_ =	shalt  }
0x58: {  	_ =	shalt  }
0x59: {  	_ =	shalt  }
0x5a: {  	_ =	shalt  }
0x5b: {  	_ =	shalt  }
0x5c: {  	_ =	shalt  }
0x5d: {  	_ =	shalt  }
0x5e: {  	_ =	shalt  }
0x5f: {  	_ =	shalt  }
0x60: {  	_ =	shalt  }
0x61: {  	_ =	shalt  }
0x62: {  	_ =	shalt  }
0x63: {  	_ =	shalt  }
0x64: {  	_ =	shalt  }
0x65: {  	_ =	shalt  }
0x66: {  	_ =	shalt  }
0x67: {  	_ =	shalt  }
0x68: {  	_ =	shalt  }
0x69: {  	_ =	shalt  }
0x6a: {  	_ =	shalt  }
0x6b: {  	_ =	shalt  }
0x6c: {  	_ =	shalt  }
0x6d: {  	_ =	shalt  }
0x6e: {  	_ =	shalt  }
0x6f: {  	_ =	shalt  }
0x70: {  	_ =	shalt  }
0x71: {  	_ =	shalt  }
0x72: {  	_ =	shalt  }
0x73: {  	_ =	shalt  }
0x74: {  	_ =	shalt  }
0x75: {  	_ =	shalt  }
0x76: {  	_ =	shalt  }
0x77: {  	_ =	shalt  }
0x78: {  	_ =	shalt  }
0x79: {  	_ =	shalt  }
0x7a: {  	_ =	shalt  }
0x7b: {  	_ =	shalt  }
0x7c: {  	_ =	shalt  }
0x7d: {  	_ =	shalt  }
0x7e: {  	_ =	shalt  }
0x7f: {  	_ =	shalt  }
0x80: {  	_ =	shalt  }
0x81: {  	_ =	shalt  }
0x82: {  	_ =	shalt  }
0x83: {  	_ =	shalt  }
0x84: {  	_ =	shalt  }
0x85: {  	_ =	shalt  }
0x86: {  	_ =	shalt  }
0x87: {  	_ =	shalt  }
.Lfunc_end0:
.L_simem_size_0:
called_computation_lowered:
.L_overlay_start_0:
0x88: {  	s2 =	sld [smem:$0x3FD9]  }
0x89: {  	s3 =	sld [smem:$0x3FFE];
	_ =	sdelay $0x1  }
0x8a: {  	s1 =	srdreg.scid  }
0x8b: {  	s0 =	sand.u32 $0x1, s1  }
0x8c: {  	s17 =	sshll.u32 s0, $0xA;
	s2 =	sadd.s32 s3, s2  }
0x8d: {  	s2 =	sadd.s32 s2, s17  }
0x8e: {  	[smem:$0x3FC4] =	sst s2  }
0x8f: {  	_ = 	snop  }
0x90: {  	s2 =	sld [smem:$0x3FD0];
	(tm) =	ssettm $0x1  }
0x91: {  	s18 =	sld [smem:$0x3FFB];
	_ =	sdelay $0x3  }
0x92: {  	_ =	strace s18  }
0x93: {  	s3 =	sld [smem:$0x3FFC];
	_ =	sdelay $0x3  }
0x94: {  	_ =	strace s3  }
0x95: {  	s3 =	sld [smem:$0x3FFD];
	_ =	sdelay $0x3  }
0x96: {  	_ =	strace s3  }
0x97: {  	_ =	strace $0x8FFFFFFF  }
0x98: {  	s19 =	sld [smem:$0x3FDB];
	_ =	sdelay $0x1  }
0x99: {  	s4 =	simm.s32 $_scs_section_size  }
0x9a: {  	s5 =	simm.s32 $_size__tile_overlayer_lowered;
	s6 =	simm.s32 $_tile_overlayer_lowered  }
0x9b: {  	s22 =	simm.s32 $0x1BFF;
	s21 =	sshll.u32 s6, $0x1;
	s3 =	sadd.s32 s4, s19  }
0x9c: {  	s7 =	simm.s32 $0x0;
	s20 =	sshll.u32 s5, $0x1;
	s5 =	sadd.s32 s21, s3  }
0x9d: {  	[timem:s7], [sflag:s22] =	dma.local [hbm:s5], s20  }
0x9e: {  	_ =	swait.ge [sflag:s22], s20  }
0x9f: {  	s4 =	ssub.s32 $0x0, s20;
	[sflag:s22] =	ssyncset.done $0x0  }
0xa0: {  	[sflag:s22] =	ssyncadd.s32 s4;
	_ =	sdelay $0x1  }
0xa1: {  	s23 =	simm.s32 $0x1B8B  }
0xa2: {  	_ =	swait.ge [sflag:s23], $0x1  }
0xa3: {  	[sflag:s23] =	ssyncset.done $0x0  }
0xa4: {  	s25 =	simm.s32 $0x1B8E;
	s24 =	sld [smem:$0x3FFE];
	[sflag:s23] =	ssyncadd.s32 $0xFFFFFFFF  }
0xa5: {  	s26 =	simm.s32 $execute0_lowered;
	[smem:$0x3FD2] =	sst s25  }
0xa6: {  	s5 =	sshll.u32 s26, $0x1;
	_ =	strace $0x80000046;
	[dreg:$0x1] =	wrdreg $0xFFFFFFFF  }
0xa7: {  	s28 =	simm.s32 $_size_execute0_lowered;
	s3 =	sadd.s32 s3, s5;
	[dreg:$0x0] =	wrdreg $0x0  }
0xa8: {  	s5 =	sshll.u32 s28, $0x1;
	[dreg:$0x2] =	wrdreg s3  }
0xa9: {  	[dreg:$0x3] =	wrdreg s5  }
0xaa: {  	[dreg:$0x4] =	wrdreg $0xC0  }
0xab: {  	_ =	task [dreg:s7], $0x5FFFF  }
0xac: {  	[dreg:$0x1] =	wrdreg $0xFFFFFFFF  }
0xad: {  	[dreg:$0x0] =	wrdreg $0x60  }
0xae: {  	[dreg:$0x2] =	wrdreg s2  }
0xaf: {  	[dreg:$0x3] =	wrdreg s24  }
0xb0: {  	[dreg:$0x4] =	wrdreg $0x68000  }
0xb1: {  	[dreg:$0x5] =	wrdreg $0x9  }
0xb2: {  	_ =	task.clear_ibuf [dreg:s7], $0x6FFFF;
	_ =	strace $0x90000046  }
0xb3: {  	s29 =	simm.s32 $0x9;
	_ =	strace $0x80000048  }
0xb4: {  	_ =	swait.ge [sflag:s29], $0x1  }
0xb5: {  	[sflag:s29] =	ssyncadd.s32 $0xFFFFFFFF  }
0xb6: {  	_ =	strace $0x90000048  }
0xb7: {  	_ =	sfence  }
0xb8: {  	s30 =	sld [smem:$0x0];
	_ =	sdelay $0x2  }
0xb9: {  	s31 =	sshll.u32 s1, $0xD;
	s1 =	sshrl.u32 s1, $0x2  }
0xba: {  	s3 =	sand.u32 $0x4000, s31;
	s1 =	sadd.s32 s1, s30  }
0xbb: {  	s0 =	sor.u32 s3, s0;
	s1 =	sshll.u32 s1, $0x11  }
0xbc: {  	s0 =	sor.u32 s1, s0  }
0xbd: {  	s0 =	sadd.s32 $0x8F2B, s0  }
0xbe: {  	[sflag:s0] =	ssyncadd.remote.s32 $0x1  }
0xbf: {  	_ =	sfence.sel $0xFFFF  }
0xc0: {  	[dreg:$0x0] =	wrdreg $0xFFFFFFFF;
	(pc) =	sbr.abs _section_cstart, $3  }
0xc1: {  	[dreg:$0x1] =	wrdreg $0xFFFFFFFF  }
0xc2: {  	_ =	task.clear_ibuf [dreg:s7], $0x2FFFF;
	_ =	strace $0x9FFFFFFF  }
0xc3: {  	(tm) =	ssettm $0x7FFFFFFF  }
tec
execute0_lowered:
.L_overlay_start_1:
0x0: {  	(tag) =	ssettag $0x1  }
0x1: {  	s5 =	rddreg [dreg:$0x0]  }
0x2: {  	s6 =	rddreg [dreg:$0x1]  }
0x3: {  	s2 =	rddreg [dreg:$0x2]  }
0x4: {  	s0 =	rddreg [dreg:$0x3];
	s1 =	stileid.u32  }
0x5: {  	s4 =	srdreg.scid;
	s3 =	simm.s32 $0x0;
	s13 =	simm.s32 $0x80  }
0x6: {  	s14 =	simm.s32 $0x0;
	s7 =	smul.u32 $0x14000, s1;
	s8 =	sand.u32 $0x1, s4  }
0x7: {  	[smem:$0x7FF] =	sst s3;
	s4 =	sadd.s32 $0x1400, s6;
	s28 =	smul.u32 $0x50000, s1  }
0x8: {  	s26 =	sshll.u32 s1, $0x1;
	s31 =	sshll.u32 s1, $0x6;
	s9 =	smul.u32 $0x140000, s8  }
0x9: {  	_ =	strace $0x80000047;
	s11 =	ssub.s32 $0x2, s8;
	s8 =	sor.u32 s8, s26  }
0xa: {  	s10 =	sshrl.u32 s7, $0x3;
	s12 =	sshrl.u32 s11, $0x1;
	s8 =	smul.u32 $0x500, s8  }
0xb: {  	s29 =	sshrl.u32 s28, $0x2;
	s10 =	sadd.s32 s10, s6;
	s7 =	sadd.s32 s7, s9  }
0xc: {  	s11 =	ssub.s32 s11, s12;
	s30 =	sadd.s32 s29, s2;
	s9 =	simm.s32 $0x1  }
0xd: {  	s7 =	sshrl.u32 s7, $0x3;
	s5 =	sadd.s32 s5, s8;
	s8 =	smax.u32 s11, $0x1  }
0xe: {  	s11 =	sor.u32 $0x1C01, s31;
	s12 =	sshrl.u32 s30, $0x3;
	s7 =	sadd.s32 s7, s6  }
0xf: {  	s6 =	sadd.s32 $0x1C00, s10;
	s10 =	simm.s32 $0x2800;
	s7 =	sadd.s32 $0x29C00, s7  }
.LBB2_1:
0x10: {  	[tilespmem:s3], [sflag:$0x1] =	stream.linear.gather [hbm4b:s5+s3], $0x2780, $0x38;
	[tilespmem:$0x1A800] =	vst v63  }
0x11: {  	_ =	swait.ge [sflag:s9], $0x2780  }
0x12: {  	[sflag:s9] =	ssyncset.done $0x0  }
0x13: {  	[sflag:s9] =	ssyncadd.s32 $0xFFFFD880  }
0x14: {  	[tilespmem:s10], [sflag:$0x1] =	stream.linear.gather [hbm4b:s4+s3], $0x4000, $0x38;
	[tilespmem:$0x1A800] =	vst v63  }
0x15: {  	_ =	swait.ge [sflag:s9], $0x4000  }
0x16: {  	[sflag:s9] =	ssyncset.done $0x0  }
0x17: {  	[sflag:s9] =	ssyncadd.s32 $0xFFFFC000  }
0x18: {  	[spmem:s12], [sflag:s11] =	dma.local [hbm:s6], $0x2800  }
0x19: {  	_ =	swait.ge [sflag:s9], $0x2800  }
0x1a: {  	[sflag:s9] =	ssyncset.done $0x0  }
0x1b: {  	[sflag:s9] =	ssyncadd.s32 $0xFFFFD800  }
0x1c: {  	s15 =	simm.s32 $0x0;
	[bflag:$0x0] =	sbarrier.arrive $0xFFFF  }
0x1d: {  	[spmem:s2] =	stream.indirect.scatter.add.f32 [tilespmem:s10], [sflag:$0x1], $0x80, s15, s13, $0xb8;
	[tilespmem:$0x1A800] =	vst v63  }
0x1e: {  	_ =	swait.ge [sflag:s9], $0x4000  }
0x1f: {  	s15 =	simm.s32 $0x200;
	[sflag:s9] =	ssyncset.done $0x0  }
.LBB2_2:
0x20: {  	s16 =	sshra.s32 s15, $0x2;
	[sflag:s9] =	ssyncadd.s32 $0xFFFFC000;
	p0 =	sne.s32 s15, $0x9C00  }
0x21: {  	[spmem:s2] =	stream.indirect.scatter.add.f32 [tilespmem:s10], [sflag:$0x1], $0x80, s16, s13, $0xb8;
	[tilespmem:$0x1A800] =	vst v63  }
.Ltmp0:
0x22: {  	_ = 	snop;
	(pc) =	sbr.rel @p0 .LBB2_2-.Ltmp0, $4  }
0x23: {  	_ = 	snop  }
0x24: {  	s15 =	sadd.s32 $0x200, s15  }
0x25: {  	_ =	swait.ge [sflag:s9], $0x4000  }
0x26: {  	[sflag:s9] =	ssyncset.done $0x0  }
0x27: {  	s14 =	sadd.s32 $0x1, s14  }
0x28: {  	[sflag:s9] =	ssyncadd.s32 $0xFFFFC000;
	p0 =	sne.s32 s14, s8  }
.Ltmp1:
0x29: {  	[bflag:$0x0] =	sbarrier.arrive $0xFFFF;
	(pc) =	sbr.rel @p0 .LBB2_1-.Ltmp1, $4  }
0x2a: {  	[hbm:s7], [sflag:s11] =	dma.local [spmem:s12], $0x2800  }
0x2b: {  	_ =	swait.ge [sflag:s9], $0x2800  }
0x2c: {  	[sflag:s9] =	ssyncset.done $0x0  }
0x2d: {  	[sflag:s9] =	ssyncadd.s32 $0xFFFFD800  }
0x2e: {  	_ =	sfence.sel $0x180000  }
0x2f: {  	[bflag:$0x0] =	sbarrier.arrive $0xFFFF  }
0x30: {  	p0 =	sne.s32 s1, $0x0;
	_ =	strace $0x90000047  }
0x31: {  	s0 =	sadd.s32 @!p0 $0x100000, s0;
	[bflag:$0x2] =	sbarrier.arrive $0xFFFF  }
0x32: {  	[sflag:s0] =	ssyncadd.tile.s32 @!p0 $0x1;
	_ =	shalt  }
.Lfunc_end2:
_tile_overlayer_lowered:
.L_overlay_start_2:
0x33: {  	(tag) =	ssettag $0x2  }
0x34: {  	s0 =	rddreg [dreg:$0x0];
	s2 =	stileid.u32  }
0x35: {  	s1 =	rddreg [dreg:$0x1];
	p0 =	sne.s32 s2, $0x0  }
0x36: {  	s3 =	rddreg [dreg:$0x2];
	[bflag:$0x3] =	sbarrier.arrive $0xFFFF;
	s2 =	simm.s32 @!p0 $0x1C01  }
0x37: {  	[timem:s3], [sflag:s2] =	dma.local @!p0 [hbm:s0], s1  }
0x38: {  	s0 =	simm.s32 @!p0 $0x1  }
0x39: {  	_ =	swait.ge @!p0 [sflag:s0], s1  }
0x3a: {  	s1 =	ssub.s32 @!p0 $0x0, s1;
	[sflag:s0] =	ssyncset.done @!p0 $0x0  }
0x3b: {  	[sflag:s0] =	ssyncadd.s32 @!p0 s1  }
0x3c: {  	[bflag:$0x3] =	sbarrier.arrive $0xFFFF  }
0x3d: {  	_ =	shalt  }

</sc_bundles>
